<compile_context>
chip_gen: v7x
topology: tpu7x:2x2x1
jax: 0.10.2.dev20260603
libtpu: 0.0.44.dev20260713+nightly
codegen_flags: <defaults>
</compile_context>

<pallas_src>
import jax
import jax.numpy as jnp
from jax import lax
from jax.experimental import pallas as pl
from jax.experimental.pallas import tpu as pltpu
from jax.experimental.pallas import tpu_sc as plsc

N_NODES = 10000
N_EDGES = 320000
D = 128
DA = 136

NC = 2
NS = 16
NW = NC * NS
EPW = N_EDGES // NW
C = 40
G = EPW // C
NBUF = 4


def _make_sc_seg_sum(W: int):
    out_type = jax.ShapeDtypeStruct((NC, N_NODES, W), jnp.float32)
    scratch = [
        pltpu.VMEM((G, C), jnp.int32),
        pltpu.VMEM((G, C), jnp.int32),
        [pltpu.VMEM((C, W), jnp.float32) for _ in range(NBUF)],
        pltpu.VMEM_SHARED((N_NODES, W), jnp.float32),
        [pltpu.SemaphoreType.DMA for _ in range(NBUF)],
    ]
    mesh = plsc.VectorSubcoreMesh(core_axis_name="c", subcore_axis_name="s")

    zoff = sorted({j * 16 for j in range(W // 16)} | {W - 16})

    def body(h_hbm, src_hbm, dst_hbm, aggp_hbm, idx_s, idx_d, rows, acc,
             sems):
        cid = lax.axis_index("c")
        sid = lax.axis_index("s")
        wid = cid * NS + sid

        zero16 = jnp.zeros((16,), jnp.float32)

        def zrow(r, carry):
            for j in zoff:
                rows[0][r, pl.ds(j, 16)] = zero16
            return carry

        lax.fori_loop(0, C, zrow, 0)

        def zb(z, carry):
            pltpu.sync_copy(rows[0], acc.at[pl.ds(sid * 640 + z * C, C)])
            return carry

        @pl.when(sid < NS - 1)
        def _zero_big():
            lax.fori_loop(0, 640 // C, zb, 0)

        @pl.when(sid == NS - 1)
        def _zero_tail():
            lax.fori_loop(0, 400 // C, zb, 0)

        pltpu.sync_copy(src_hbm.at[wid], idx_s)
        pltpu.sync_copy(dst_hbm.at[wid], idx_d)
        plsc.subcore_barrier()

        for b in range(NBUF):
            pltpu.async_copy(h_hbm.at[idx_s.at[b]], rows[b], sems[b])

        def step(c, b):
            pltpu.make_async_copy(h_hbm.at[idx_s.at[c]], rows[b],
                                  sems[b]).wait()
            pltpu.sync_copy(rows[b], acc.at[idx_d.at[c]], add=True)

            @pl.when(c + NBUF < G)
            def _prefetch():
                pltpu.async_copy(h_hbm.at[idx_s.at[c + NBUF]], rows[b],
                                 sems[b])

        def rnd(r, carry):
            for b in range(NBUF):
                step(r * NBUF + b, b)
            return carry

        lax.fori_loop(0, G // NBUF, rnd, 0)
        for t in range(G - NBUF * (G // NBUF)):
            step(NBUF * (G // NBUF) + t, t)
        plsc.subcore_barrier()

        @pl.when(sid < NS - 1)
        def _write_big():
            pltpu.sync_copy(acc.at[pl.ds(sid * 640, 640)],
                            aggp_hbm.at[cid, pl.ds(sid * 640, 640)])

        @pl.when(sid == NS - 1)
        def _write_tail():
            pltpu.sync_copy(acc.at[pl.ds((NS - 1) * 640, 400)],
                            aggp_hbm.at[cid, pl.ds((NS - 1) * 640, 400)])

    return pl.kernel(
        body, out_type=out_type, mesh=mesh, scratch_types=scratch,
        compiler_params=pltpu.CompilerParams(use_tc_tiling_on_sc=False))


_sc_seg_sum_aug = _make_sc_seg_sum(DA)
_sc_seg_sum = _make_sc_seg_sum(D)

BN = 1000



def _tc_pre_body(x_ref, wn_ref, ws_ref, b_ref, p1_ref, s1_ref):
    xb = x_ref[...]
    p = jnp.dot(xb, wn_ref[...], preferred_element_type=jnp.float32)
    ones = jnp.ones((BN, 1), jnp.float32)
    zeros = jnp.zeros((BN, DA - D - 1), jnp.float32)
    p1_ref[...] = jnp.concatenate([p, ones, zeros], axis=1)
    s1_ref[...] = (jnp.dot(xb, ws_ref[...],
                           preferred_element_type=jnp.float32)
                   + b_ref[...])


def _tc_pre(x, W_neigh, W_self, b):
    return pl.pallas_call(
        _tc_pre_body,
        grid=(N_NODES // BN,),
        in_specs=[
            pl.BlockSpec((BN, D), lambda i: (i, 0)),
            pl.BlockSpec((D, D), lambda i: (0, 0)),
            pl.BlockSpec((D, D), lambda i: (0, 0)),
            pl.BlockSpec((1, D), lambda i: (0, 0)),
        ],
        out_specs=[
            pl.BlockSpec((BN, DA), lambda i: (i, 0)),
            pl.BlockSpec((BN, D), lambda i: (i, 0)),
        ],
        out_shape=[
            jax.ShapeDtypeStruct((N_NODES, DA), jnp.float32),
            jax.ShapeDtypeStruct((N_NODES, D), jnp.float32),
        ],
    )(x, W_neigh, W_self, b.reshape(1, D))


def _tc_mid_body(aggp_ref, s1_ref, wn_ref, ws_ref, b_ref, p2_ref, s2_ref,
                 invd_ref):
    agg = aggp_ref[0] + aggp_ref[1]
    inv = 1.0 / jnp.maximum(agg[:, D], 1.0)
    h1 = jnp.maximum(s1_ref[...] + agg[:, :D] * inv[:, None], 0.0)
    p2_ref[...] = jnp.dot(h1, wn_ref[...],
                          preferred_element_type=jnp.float32)
    s2_ref[...] = (jnp.dot(h1, ws_ref[...],
                           preferred_element_type=jnp.float32)
                   + b_ref[...])
    invd_ref[...] = jnp.broadcast_to(inv[:, None], (BN, 8))


def _tc_mid(aggp, s1, W_neigh, W_self, b):
    return pl.pallas_call(
        _tc_mid_body,
        grid=(N_NODES // BN,),
        in_specs=[
            pl.BlockSpec((NC, BN, DA), lambda i: (0, i, 0)),
            pl.BlockSpec((BN, D), lambda i: (i, 0)),
            pl.BlockSpec((D, D), lambda i: (0, 0)),
            pl.BlockSpec((D, D), lambda i: (0, 0)),
            pl.BlockSpec((1, D), lambda i: (0, 0)),
        ],
        out_specs=[
            pl.BlockSpec((BN, D), lambda i: (i, 0)),
            pl.BlockSpec((BN, D), lambda i: (i, 0)),
            pl.BlockSpec((BN, 8), lambda i: (i, 0)),
        ],
        out_shape=[
            jax.ShapeDtypeStruct((N_NODES, D), jnp.float32),
            jax.ShapeDtypeStruct((N_NODES, D), jnp.float32),
            jax.ShapeDtypeStruct((N_NODES, 8), jnp.float32),
        ],
    )(aggp, s1, W_neigh, W_self, b.reshape(1, D))


def _tc_post_body(aggp_ref, s2_ref, invd_ref, out_ref):
    agg = aggp_ref[0] + aggp_ref[1]
    inv = invd_ref[:, 0]
    out_ref[...] = jnp.maximum(s2_ref[...] + agg * inv[:, None], 0.0)


def _tc_post(aggp, s2, invd):
    return pl.pallas_call(
        _tc_post_body,
        grid=(N_NODES // BN,),
        in_specs=[
            pl.BlockSpec((NC, BN, D), lambda i: (0, i, 0)),
            pl.BlockSpec((BN, D), lambda i: (i, 0)),
            pl.BlockSpec((BN, 8), lambda i: (i, 0)),
        ],
        out_specs=pl.BlockSpec((BN, D), lambda i: (i, 0)),
        out_shape=jax.ShapeDtypeStruct((N_NODES, D), jnp.float32),
    )(aggp, s2, invd)


def kernel(in_feat, edge_index, W_self1, W_neigh1, b1, W_self2, W_neigh2,
           b2):
    edge_index = edge_index.astype(jnp.int32)
    src3 = edge_index[0].reshape(NW, G, C)
    dst3 = edge_index[1].reshape(NW, G, C)
    h = in_feat.astype(jnp.float32)

    p1aug, s1 = _tc_pre(h, W_neigh1, W_self1, b1)
    aggp1 = _sc_seg_sum_aug(p1aug, src3, dst3)
    p2, s2, invd = _tc_mid(aggp1, s1, W_neigh2, W_self2, b2)
    aggp2 = _sc_seg_sum(p2, src3, dst3)
    out = _tc_post(aggp2, s2, invd)
    return out

# --- scband reference (transcript-rebuilt; emitter-appended) ---
"""Pipeline reference for scband-baseline-graph-sagecluster-28707561407277 (READ-ONLY COPY).

The authoritative reference and input builder live on the scoring server;
editing this copy changes nothing except your own understanding.
"""

import jax, jax.numpy as jnp
import numpy as np

N_NODES = 10000
N_EDGES = 320000
D_IN = 128
D_H = 128


def setup_inputs(seed: int = 0) -> dict:
    key = jax.random.key(seed)
    k1, k2, k3, k4, k5, k6, k7, k8 = jax.random.split(key, 8)
    x = jax.random.normal(k1, (N_NODES, D_IN), dtype=jnp.float32)
    edge_index = jax.random.randint(k2, (2, N_EDGES), 0, N_NODES, dtype=jnp.int64)
    W_self1 = jax.random.normal(k3, (D_IN, D_H), dtype=jnp.float32) * 0.05
    W_neigh1 = jax.random.normal(k4, (D_IN, D_H), dtype=jnp.float32) * 0.05
    b1 = jnp.zeros((D_H,), dtype=jnp.float32)
    W_self2 = jax.random.normal(k5, (D_H, D_H), dtype=jnp.float32) * 0.05
    W_neigh2 = jax.random.normal(k6, (D_H, D_H), dtype=jnp.float32) * 0.05
    b2 = jnp.zeros((D_H,), dtype=jnp.float32)
    return {"in_feat": x, "edge_index": edge_index, "W_self1": W_self1, "W_neigh1": W_neigh1, "b1": b1, "W_self2": W_self2, "W_neigh2": W_neigh2, "b2": b2}


def _sage_layer(h, src, dst, W_self, W_neigh, b):
    # DGL SAGEConv with aggregator_type='mean':
    #   h_neigh = mean over incoming neighbor messages
    #   rst = fc_self(h) + fc_neigh(h_neigh) + bias
    msg = jnp.take(h, src, axis=0)
    agg = jax.ops.segment_sum(msg, dst, num_segments=N_NODES)
    deg = jax.ops.segment_sum(jnp.ones((src.shape[0],), dtype=h.dtype), dst, num_segments=N_NODES)
    h_neigh = agg / jnp.clip(deg, 1.0)[:, None]
    return h @ W_self + h_neigh @ W_neigh + b


def reference(in_feat, edge_index, W_self1, W_neigh1, b1, W_self2, W_neigh2, b2):
    src = edge_index[0]
    dst = edge_index[1]
    h = in_feat.astype(jnp.float32)
    # layer 1 + relu (dropout is identity in eval mode)
    h = _sage_layer(h, src, dst, W_self1, W_neigh1, b1)
    h = jax.nn.relu(h)
    # layer 2 + relu
    h = _sage_layer(h, src, dst, W_self2, W_neigh2, b2)
    h = jax.nn.relu(h)
    return h

if __name__ == "__main__":
    import jax
    _d = setup_inputs()
    print(jax.jit(kernel)(*tuple(_d.values())))

</pallas_src>

<mosaic_0001>
#map = affine_map<(d0, d1) -> (0, 0)>
#map1 = affine_map<(d0, d1) -> (0, 0, 0)>
module attributes {stable_mosaic.version = 14 : i64} {
  func.func @body(%arg0: i32, %arg1: i32, %arg2: memref<10000x136xf32, #tpu.memory_space<hbm>>, %arg3: memref<32x250x40xi32, #tpu.memory_space<hbm>>, %arg4: memref<32x250x40xi32, #tpu.memory_space<hbm>>, %arg5: memref<2x10000x136xf32, #tpu.memory_space<hbm>>, %arg6: memref<250x40xi32, #tpu.memory_space<vmem>>, %arg7: memref<250x40xi32, #tpu.memory_space<vmem>>, %arg8: memref<40x136xf32, #tpu.memory_space<vmem>>, %arg9: memref<40x136xf32, #tpu.memory_space<vmem>>, %arg10: memref<40x136xf32, #tpu.memory_space<vmem>>, %arg11: memref<40x136xf32, #tpu.memory_space<vmem>>, %arg12: memref<10000x136xf32, #tpu.memory_space<vmem_shared>>, %arg13: memref<!tpu.dma_semaphore, #tpu.memory_space<semaphore_mem>>, %arg14: memref<!tpu.dma_semaphore, #tpu.memory_space<semaphore_mem>>, %arg15: memref<!tpu.dma_semaphore, #tpu.memory_space<semaphore_mem>>, %arg16: memref<!tpu.dma_semaphore, #tpu.memory_space<semaphore_mem>>) attributes {dimension_semantics = [#tpu.dimension_semantics<core_parallel>, #tpu.dimension_semantics<subcore_parallel>], iteration_bounds = array<i64: 2, 16>, scalar_prefetch = 0 : i64, scratch_operands = 11 : i64, tpu.core_type = #tpu.core_type<sc_vector_subcore>, window_params = [{transform_indices = #map}, {transform_indices = #map1}, {transform_indices = #map1}, {transform_indices = #map1}]} {
    %mul3A = arith.constant 16 : i32
    %mul3A_0 = arith.muli %arg0, %mul3A : i32
    %add3A = arith.addi %mul3A_0, %arg1 : i32
    %broadcast_in_dim3A = arith.constant 0.000000e+00 : f32
    %broadcast_in_dim3A_1 = vector.broadcast %broadcast_in_dim3A : f32 to vector<16xf32>
    %scan3A = arith.constant 0 : i32
    %scan3A_2 = arith.constant 0 : i32
    %scan3A_3 = arith.constant 40 : i32
    %scan3A_4 = arith.addi %scan3A_2, %scan3A_3 : i32
    %scan3A_5 = arith.constant 1 : i32
    scf.for %scan3A_71 = %scan3A_2 to %scan3A_4 step %scan3A_5  : i32 {
      %swap3A = arith.index_cast %scan3A_71 : i32 to index
      %swap3A_72 = arith.constant 0 : index
      %swap3A_73 = tpu.vector_load %arg8[%swap3A, %swap3A_72] {strides = array<i32>} : memref<40x136xf32, #tpu.memory_space<vmem>>, vector<1x16xf32>,
      %swap3A_74 = vector.shape_cast %swap3A_73 : vector<1x16xf32> to vector<16xf32>
      %swap3A_75 = vector.shape_cast %broadcast_in_dim3A_1 : vector<16xf32> to vector<1x16xf32>
      tpu.vector_store %arg8[%swap3A, %swap3A_72], %swap3A_75 {strides = array<i32>} : memref<40x136xf32, #tpu.memory_space<vmem>>, vector<1x16xf32>,
      %swap3A_76 = arith.index_cast %scan3A_71 : i32 to index
      %swap3A_77 = arith.constant 16 : index
      %swap3A_78 = tpu.vector_load %arg8[%swap3A_76, %swap3A_77] {strides = array<i32>} : memref<40x136xf32, #tpu.memory_space<vmem>>, vector<1x16xf32>,
      %swap3A_79 = vector.shape_cast %swap3A_78 : vector<1x16xf32> to vector<16xf32>
      %swap3A_80 = vector.shape_cast %broadcast_in_dim3A_1 : vector<16xf32> to vector<1x16xf32>
      tpu.vector_store %arg8[%swap3A_76, %swap3A_77], %swap3A_80 {strides = array<i32>} : memref<40x136xf32, #tpu.memory_space<vmem>>, vector<1x16xf32>,
      %swap3A_81 = arith.index_cast %scan3A_71 : i32 to index
      %swap3A_82 = arith.constant 32 : index
      %swap3A_83 = tpu.vector_load %arg8[%swap3A_81, %swap3A_82] {strides = array<i32>} : memref<40x136xf32, #tpu.memory_space<vmem>>, vector<1x16xf32>,
      %swap3A_84 = vector.shape_cast %swap3A_83 : vector<1x16xf32> to vector<16xf32>
      %swap3A_85 = vector.shape_cast %broadcast_in_dim3A_1 : vector<16xf32> to vector<1x16xf32>
      tpu.vector_store %arg8[%swap3A_81, %swap3A_82], %swap3A_85 {strides = array<i32>} : memref<40x136xf32, #tpu.memory_space<vmem>>, vector<1x16xf32>,
      %swap3A_86 = arith.index_cast %scan3A_71 : i32 to index
      %swap3A_87 = arith.constant 48 : index
      %swap3A_88 = tpu.vector_load %arg8[%swap3A_86, %swap3A_87] {strides = array<i32>} : memref<40x136xf32, #tpu.memory_space<vmem>>, vector<1x16xf32>,
      %swap3A_89 = vector.shape_cast %swap3A_88 : vector<1x16xf32> to vector<16xf32>
      %swap3A_90 = vector.shape_cast %broadcast_in_dim3A_1 : vector<16xf32> to vector<1x16xf32>
      tpu.vector_store %arg8[%swap3A_86, %swap3A_87], %swap3A_90 {strides = array<i32>} : memref<40x136xf32, #tpu.memory_space<vmem>>, vector<1x16xf32>,
      %swap3A_91 = arith.index_cast %scan3A_71 : i32 to index
      %swap3A_92 = arith.constant 64 : index
      %swap3A_93 = tpu.vector_load %arg8[%swap3A_91, %swap3A_92] {strides = array<i32>} : memref<40x136xf32, #tpu.memory_space<vmem>>, vector<1x16xf32>,
      %swap3A_94 = vector.shape_cast %swap3A_93 : vector<1x16xf32> to vector<16xf32>
      %swap3A_95 = vector.shape_cast %broadcast_in_dim3A_1 : vector<16xf32> to vector<1x16xf32>
      tpu.vector_store %arg8[%swap3A_91, %swap3A_92], %swap3A_95 {strides = array<i32>} : memref<40x136xf32, #tpu.memory_space<vmem>>, vector<1x16xf32>,
      %swap3A_96 = arith.index_cast %scan3A_71 : i32 to index
      %swap3A_97 = arith.constant 80 : index
      %swap3A_98 = tpu.vector_load %arg8[%swap3A_96, %swap3A_97] {strides = array<i32>} : memref<40x136xf32, #tpu.memory_space<vmem>>, vector<1x16xf32>,
      %swap3A_99 = vector.shape_cast %swap3A_98 : vector<1x16xf32> to vector<16xf32>
      %swap3A_100 = vector.shape_cast %broadcast_in_dim3A_1 : vector<16xf32> to vector<1x16xf32>
      tpu.vector_store %arg8[%swap3A_96, %swap3A_97], %swap3A_100 {strides = array<i32>} : memref<40x136xf32, #tpu.memory_space<vmem>>, vector<1x16xf32>,
      %swap3A_101 = arith.index_cast %scan3A_71 : i32 to index
      %swap3A_102 = arith.constant 96 : index
      %swap3A_103 = tpu.vector_load %arg8[%swap3A_101, %swap3A_102] {strides = array<i32>} : memref<40x136xf32, #tpu.memory_space<vmem>>, vector<1x16xf32>,
      %swap3A_104 = vector.shape_cast %swap3A_103 : vector<1x16xf32> to vector<16xf32>
      %swap3A_105 = vector.shape_cast %broadcast_in_dim3A_1 : vector<16xf32> to vector<1x16xf32>
      tpu.vector_store %arg8[%swap3A_101, %swap3A_102], %swap3A_105 {strides = array<i32>} : memref<40x136xf32, #tpu.memory_space<vmem>>, vector<1x16xf32>,
      %swap3A_106 = arith.index_cast %scan3A_71 : i32 to index
      %swap3A_107 = arith.constant 112 : index
      %swap3A_108 = tpu.vector_load %arg8[%swap3A_106, %swap3A_107] {strides = array<i32>} : memref<40x136xf32, #tpu.memory_space<vmem>>, vector<1x16xf32>,
      %swap3A_109 = vector.shape_cast %swap3A_108 : vector<1x16xf32> to vector<16xf32>
      %swap3A_110 = vector.shape_cast %broadcast_in_dim3A_1 : vector<16xf32> to vector<1x16xf32>
      tpu.vector_store %arg8[%swap3A_106, %swap3A_107], %swap3A_110 {strides = array<i32>} : memref<40x136xf32, #tpu.memory_space<vmem>>, vector<1x16xf32>,
      %swap3A_111 = arith.index_cast %scan3A_71 : i32 to index
      %swap3A_112 = arith.constant 120 : index
      %swap3A_113 = tpu.vector_load %arg8[%swap3A_111, %swap3A_112] {strides = array<i32>} : memref<40x136xf32, #tpu.memory_space<vmem>>, vector<1x16xf32>,
      %swap3A_114 = vector.shape_cast %swap3A_113 : vector<1x16xf32> to vector<16xf32>
      %swap3A_115 = vector.shape_cast %broadcast_in_dim3A_1 : vector<16xf32> to vector<1x16xf32>
      tpu.vector_store %arg8[%swap3A_111, %swap3A_112], %swap3A_115 {strides = array<i32>} : memref<40x136xf32, #tpu.memory_space<vmem>>, vector<1x16xf32>,
    }
    %scan3A_6 = arith.constant 40 : i32
    %lt3A = arith.constant 15 : i32
    %lt3A_7 = arith.cmpi slt, %arg1, %lt3A : i32
    %convert_element_type3A = arith.extui %lt3A_7 : i1 to i32
    %cond3A = arith.constant 0 : i32
    %cond3A_8 = arith.cmpi ne, %convert_element_type3A, %cond3A : i32
    scf.if %cond3A_8 {
      %scan3A_71 = arith.constant 0 : i32
      %scan3A_72 = arith.constant 0 : i32
      %scan3A_73 = arith.constant 16 : i32
      %scan3A_74 = arith.addi %scan3A_72, %scan3A_73 : i32
      %scan3A_75 = arith.constant 1 : i32
      scf.for %scan3A_77 = %scan3A_72 to %scan3A_74 step %scan3A_75  : i32 {
        %mul3A_78 = arith.constant 640 : i32
        %mul3A_79 = arith.muli %arg1, %mul3A_78 : i32
        %mul3A_80 = arith.constant 40 : i32
        %mul3A_81 = arith.muli %scan3A_77, %mul3A_80 : i32
        %add3A_82 = arith.addi %mul3A_79, %mul3A_81 : i32
        "tpu.region"() ({
          %run_scoped3A_83 = tpu.sem_alloc : memref<!tpu.dma_semaphore, #tpu.memory_space<semaphore_mem>>
          %dma_start3A_84 = arith.constant 0 : i32
          %dma_start3A_85 = tpu.memref_slice %arg12[%add3A_82, %dma_start3A_84] : memref<10000x136xf32, #tpu.memory_space<vmem_shared>> -> memref<40x136xf32, #tpu.memory_space<vmem_shared>>
          %dma_start3A_86 = arith.constant 0 : i32
          %dma_start3A_87 = tpu.memref_slice %arg12[%add3A_82, %dma_start3A_86] : memref<10000x136xf32, #tpu.memory_space<vmem_shared>> -> memref<40x136xf32, #tpu.memory_space<vmem_shared>>
          tpu.enqueue_dma source(%arg8 : memref<40x136xf32, #tpu.memory_space<vmem>>) target(%dma_start3A_87 : memref<40x136xf32, #tpu.memory_space<vmem_shared>>) target_semaphore(%run_scoped3A_83 : memref<!tpu.dma_semaphore, #tpu.memory_space<semaphore_mem>>)
          %dma_wait3A_88 = arith.constant 0 : i32
          %dma_wait3A_89 = tpu.memref_slice %arg12[%add3A_82, %dma_wait3A_88] : memref<10000x136xf32, #tpu.memory_space<vmem_shared>> -> memref<40x136xf32, #tpu.memory_space<vmem_shared>>
          %dma_wait3A_90 = arith.constant 0 : i32
          %dma_wait3A_91 = tpu.memref_slice %arg12[%add3A_82, %dma_wait3A_90] : memref<10000x136xf32, #tpu.memory_space<vmem_shared>> -> memref<40x136xf32, #tpu.memory_space<vmem_shared>>
          tpu.wait_dma2 semaphore(%run_scoped3A_83 : memref<!tpu.dma_semaphore, #tpu.memory_space<semaphore_mem>>) src(%arg8 : memref<40x136xf32, #tpu.memory_space<vmem>>) dst(%dma_wait3A_91 : memref<40x136xf32, #tpu.memory_space<vmem_shared>>)
          tpu.yield
        }) : () -> ()
      }
      %scan3A_76 = arith.constant 16 : i32
    } else {
    }
    %eq3A = arith.constant 15 : i32
    %eq3A_9 = arith.cmpi eq, %arg1, %eq3A : i32
    %convert_element_type3A_10 = arith.extui %eq3A_9 : i1 to i32
    %cond3A_11 = arith.constant 0 : i32
    %cond3A_12 = arith.cmpi ne, %convert_element_type3A_10, %cond3A_11 : i32
    scf.if %cond3A_12 {
      %scan3A_71 = arith.constant 0 : i32
      %scan3A_72 = arith.constant 0 : i32
      %scan3A_73 = arith.constant 10 : i32
      %scan3A_74 = arith.addi %scan3A_72, %scan3A_73 : i32
      %scan3A_75 = arith.constant 1 : i32
      scf.for %scan3A_77 = %scan3A_72 to %scan3A_74 step %scan3A_75  : i32 {
        %mul3A_78 = arith.constant 640 : i32
        %mul3A_79 = arith.muli %arg1, %mul3A_78 : i32
        %mul3A_80 = arith.constant 40 : i32
        %mul3A_81 = arith.muli %scan3A_77, %mul3A_80 : i32
        %add3A_82 = arith.addi %mul3A_79, %mul3A_81 : i32
        "tpu.region"() ({
          %run_scoped3A_83 = tpu.sem_alloc : memref<!tpu.dma_semaphore, #tpu.memory_space<semaphore_mem>>
          %dma_start3A_84 = arith.constant 0 : i32
          %dma_start3A_85 = tpu.memref_slice %arg12[%add3A_82, %dma_start3A_84] : memref<10000x136xf32, #tpu.memory_space<vmem_shared>> -> memref<40x136xf32, #tpu.memory_space<vmem_shared>>
          %dma_start3A_86 = arith.constant 0 : i32
          %dma_start3A_87 = tpu.memref_slice %arg12[%add3A_82, %dma_start3A_86] : memref<10000x136xf32, #tpu.memory_space<vmem_shared>> -> memref<40x136xf32, #tpu.memory_space<vmem_shared>>
          tpu.enqueue_dma source(%arg8 : memref<40x136xf32, #tpu.memory_space<vmem>>) target(%dma_start3A_87 : memref<40x136xf32, #tpu.memory_space<vmem_shared>>) target_semaphore(%run_scoped3A_83 : memref<!tpu.dma_semaphore, #tpu.memory_space<semaphore_mem>>)
          %dma_wait3A_88 = arith.constant 0 : i32
          %dma_wait3A_89 = tpu.memref_slice %arg12[%add3A_82, %dma_wait3A_88] : memref<10000x136xf32, #tpu.memory_space<vmem_shared>> -> memref<40x136xf32, #tpu.memory_space<vmem_shared>>
          %dma_wait3A_90 = arith.constant 0 : i32
          %dma_wait3A_91 = tpu.memref_slice %arg12[%add3A_82, %dma_wait3A_90] : memref<10000x136xf32, #tpu.memory_space<vmem_shared>> -> memref<40x136xf32, #tpu.memory_space<vmem_shared>>
          tpu.wait_dma2 semaphore(%run_scoped3A_83 : memref<!tpu.dma_semaphore, #tpu.memory_space<semaphore_mem>>) src(%arg8 : memref<40x136xf32, #tpu.memory_space<vmem>>) dst(%dma_wait3A_91 : memref<40x136xf32, #tpu.memory_space<vmem_shared>>)
          tpu.yield
        }) : () -> ()
      }
      %scan3A_76 = arith.constant 10 : i32
    } else {
    }
    "tpu.region"() ({
      %run_scoped3A_71 = tpu.sem_alloc : memref<!tpu.dma_semaphore, #tpu.memory_space<semaphore_mem>>
      %dma_start3A_72 = arith.constant 0 : i32
      %dma_start3A_73 = arith.constant 0 : i32
      %dma_start3A_74 = tpu.memref_slice %arg3[%add3A, %dma_start3A_72, %dma_start3A_73] : memref<32x250x40xi32, #tpu.memory_space<hbm>> -> memref<1x250x40xi32, #tpu.memory_space<hbm>>
      %dma_start3A_75 = tpu.memref_squeeze %dma_start3A_74 : memref<1x250x40xi32, #tpu.memory_space<hbm>> -> memref<250x40xi32, #tpu.memory_space<hbm>>
      %dma_start3A_76 = arith.constant 0 : i32
      %dma_start3A_77 = arith.constant 0 : i32
      %dma_start3A_78 = tpu.memref_slice %arg3[%add3A, %dma_start3A_76, %dma_start3A_77] : memref<32x250x40xi32, #tpu.memory_space<hbm>> -> memref<1x250x40xi32, #tpu.memory_space<hbm>>
      %dma_start3A_79 = tpu.memref_squeeze %dma_start3A_78 : memref<1x250x40xi32, #tpu.memory_space<hbm>> -> memref<250x40xi32, #tpu.memory_space<hbm>>
      tpu.enqueue_dma source(%dma_start3A_79 : memref<250x40xi32, #tpu.memory_space<hbm>>) target(%arg6 : memref<250x40xi32, #tpu.memory_space<vmem>>) target_semaphore(%run_scoped3A_71 : memref<!tpu.dma_semaphore, #tpu.memory_space<semaphore_mem>>)
      %dma_wait3A_80 = arith.constant 0 : i32
      %dma_wait3A_81 = arith.constant 0 : i32
      %dma_wait3A_82 = tpu.memref_slice %arg3[%add3A, %dma_wait3A_80, %dma_wait3A_81] : memref<32x250x40xi32, #tpu.memory_space<hbm>> -> memref<1x250x40xi32, #tpu.memory_space<hbm>>
      %dma_wait3A_83 = tpu.memref_squeeze %dma_wait3A_82 : memref<1x250x40xi32, #tpu.memory_space<hbm>> -> memref<250x40xi32, #tpu.memory_space<hbm>>
      %dma_wait3A_84 = arith.constant 0 : i32
      %dma_wait3A_85 = arith.constant 0 : i32
      %dma_wait3A_86 = tpu.memref_slice %arg3[%add3A, %dma_wait3A_84, %dma_wait3A_85] : memref<32x250x40xi32, #tpu.memory_space<hbm>> -> memref<1x250x40xi32, #tpu.memory_space<hbm>>
      %dma_wait3A_87 = tpu.memref_squeeze %dma_wait3A_86 : memref<1x250x40xi32, #tpu.memory_space<hbm>> -> memref<250x40xi32, #tpu.memory_space<hbm>>
      tpu.wait_dma2 semaphore(%run_scoped3A_71 : memref<!tpu.dma_semaphore, #tpu.memory_space<semaphore_mem>>) src(%dma_wait3A_87 : memref<250x40xi32, #tpu.memory_space<hbm>>) dst(%arg6 : memref<250x40xi32, #tpu.memory_space<vmem>>)
      tpu.yield
    }) : () -> ()
    "tpu.region"() ({
      %run_scoped3A_71 = tpu.sem_alloc : memref<!tpu.dma_semaphore, #tpu.memory_space<semaphore_mem>>
      %dma_start3A_72 = arith.constant 0 : i32
      %dma_start3A_73 = arith.constant 0 : i32
      %dma_start3A_74 = tpu.memref_slice %arg4[%add3A, %dma_start3A_72, %dma_start3A_73] : memref<32x250x40xi32, #tpu.memory_space<hbm>> -> memref<1x250x40xi32, #tpu.memory_space<hbm>>
      %dma_start3A_75 = tpu.memref_squeeze %dma_start3A_74 : memref<1x250x40xi32, #tpu.memory_space<hbm>> -> memref<250x40xi32, #tpu.memory_space<hbm>>
      %dma_start3A_76 = arith.constant 0 : i32
      %dma_start3A_77 = arith.constant 0 : i32
      %dma_start3A_78 = tpu.memref_slice %arg4[%add3A, %dma_start3A_76, %dma_start3A_77] : memref<32x250x40xi32, #tpu.memory_space<hbm>> -> memref<1x250x40xi32, #tpu.memory_space<hbm>>
      %dma_start3A_79 = tpu.memref_squeeze %dma_start3A_78 : memref<1x250x40xi32, #tpu.memory_space<hbm>> -> memref<250x40xi32, #tpu.memory_space<hbm>>
      tpu.enqueue_dma source(%dma_start3A_79 : memref<250x40xi32, #tpu.memory_space<hbm>>) target(%arg7 : memref<250x40xi32, #tpu.memory_space<vmem>>) target_semaphore(%run_scoped3A_71 : memref<!tpu.dma_semaphore, #tpu.memory_space<semaphore_mem>>)
      %dma_wait3A_80 = arith.constant 0 : i32
      %dma_wait3A_81 = arith.constant 0 : i32
      %dma_wait3A_82 = tpu.memref_slice %arg4[%add3A, %dma_wait3A_80, %dma_wait3A_81] : memref<32x250x40xi32, #tpu.memory_space<hbm>> -> memref<1x250x40xi32, #tpu.memory_space<hbm>>
      %dma_wait3A_83 = tpu.memref_squeeze %dma_wait3A_82 : memref<1x250x40xi32, #tpu.memory_space<hbm>> -> memref<250x40xi32, #tpu.memory_space<hbm>>
      %dma_wait3A_84 = arith.constant 0 : i32
      %dma_wait3A_85 = arith.constant 0 : i32
      %dma_wait3A_86 = tpu.memref_slice %arg4[%add3A, %dma_wait3A_84, %dma_wait3A_85] : memref<32x250x40xi32, #tpu.memory_space<hbm>> -> memref<1x250x40xi32, #tpu.memory_space<hbm>>
      %dma_wait3A_87 = tpu.memref_squeeze %dma_wait3A_86 : memref<1x250x40xi32, #tpu.memory_space<hbm>> -> memref<250x40xi32, #tpu.memory_space<hbm>>
      tpu.wait_dma2 semaphore(%run_scoped3A_71 : memref<!tpu.dma_semaphore, #tpu.memory_space<semaphore_mem>>) src(%dma_wait3A_87 : memref<250x40xi32, #tpu.memory_space<hbm>>) dst(%arg7 : memref<250x40xi32, #tpu.memory_space<vmem>>)
      tpu.yield
    }) : () -> ()
    %barrier3A = arith.constant 0 : index
    tpu.barrier barrier_id(%barrier3A)
    %dma_start3A = arith.constant 0 : i32
    %dma_start3A_13 = arith.constant 0 : i32
    %dma_start3A_14 = tpu.memref_slice %arg6[%dma_start3A, %dma_start3A_13] : memref<250x40xi32, #tpu.memory_space<vmem>> -> memref<1x40xi32, #tpu.memory_space<vmem>>
    %dma_start3A_15 = tpu.memref_squeeze %dma_start3A_14 : memref<1x40xi32, #tpu.memory_space<vmem>> -> memref<40xi32, #tpu.memory_space<vmem>>
    %dma_start3A_16 = arith.constant 0 : i32
    %dma_start3A_17 = arith.constant 0 : i32
    %dma_start3A_18 = tpu.memref_slice %arg2[%dma_start3A_16, %dma_start3A_17] : memref<10000x136xf32, #tpu.memory_space<hbm>> -> memref<10000x136xf32, #tpu.memory_space<hbm>>
    tpu.enqueue_indirect_dma source(%dma_start3A_18 : memref<10000x136xf32, #tpu.memory_space<hbm>>) target(%arg8 : memref<40x136xf32, #tpu.memory_space<vmem>>) offsets(%dma_start3A_15 : memref<40xi32, #tpu.memory_space<vmem>>) semaphore(%arg13 : memref<!tpu.dma_semaphore, #tpu.memory_space<semaphore_mem>>)
    %dma_start3A_19 = arith.constant 1 : i32
    %dma_start3A_20 = arith.constant 0 : i32
    %dma_start3A_21 = tpu.memref_slice %arg6[%dma_start3A_19, %dma_start3A_20] : memref<250x40xi32, #tpu.memory_space<vmem>> -> memref<1x40xi32, #tpu.memory_space<vmem>>
    %dma_start3A_22 = tpu.memref_squeeze %dma_start3A_21 : memref<1x40xi32, #tpu.memory_space<vmem>> -> memref<40xi32, #tpu.memory_space<vmem>>
    %dma_start3A_23 = arith.constant 0 : i32
    %dma_start3A_24 = arith.constant 0 : i32
    %dma_start3A_25 = tpu.memref_slice %arg2[%dma_start3A_23, %dma_start3A_24] : memref<10000x136xf32, #tpu.memory_space<hbm>> -> memref<10000x136xf32, #tpu.memory_space<hbm>>
    tpu.enqueue_indirect_dma source(%dma_start3A_25 : memref<10000x136xf32, #tpu.memory_space<hbm>>) target(%arg9 : memref<40x136xf32, #tpu.memory_space<vmem>>) offsets(%dma_start3A_22 : memref<40xi32, #tpu.memory_space<vmem>>) semaphore(%arg14 : memref<!tpu.dma_semaphore, #tpu.memory_space<semaphore_mem>>)
    %dma_start3A_26 = arith.constant 2 : i32
    %dma_start3A_27 = arith.constant 0 : i32
    %dma_start3A_28 = tpu.memref_slice %arg6[%dma_start3A_26, %dma_start3A_27] : memref<250x40xi32, #tpu.memory_space<vmem>> -> memref<1x40xi32, #tpu.memory_space<vmem>>
    %dma_start3A_29 = tpu.memref_squeeze %dma_start3A_28 : memref<1x40xi32, #tpu.memory_space<vmem>> -> memref<40xi32, #tpu.memory_space<vmem>>
    %dma_start3A_30 = arith.constant 0 : i32
    %dma_start3A_31 = arith.constant 0 : i32
    %dma_start3A_32 = tpu.memref_slice %arg2[%dma_start3A_30, %dma_start3A_31] : memref<10000x136xf32, #tpu.memory_space<hbm>> -> memref<10000x136xf32, #tpu.memory_space<hbm>>
    tpu.enqueue_indirect_dma source(%dma_start3A_32 : memref<10000x136xf32, #tpu.memory_space<hbm>>) target(%arg10 : memref<40x136xf32, #tpu.memory_space<vmem>>) offsets(%dma_start3A_29 : memref<40xi32, #tpu.memory_space<vmem>>) semaphore(%arg15 : memref<!tpu.dma_semaphore, #tpu.memory_space<semaphore_mem>>)
    %dma_start3A_33 = arith.constant 3 : i32
    %dma_start3A_34 = arith.constant 0 : i32
    %dma_start3A_35 = tpu.memref_slice %arg6[%dma_start3A_33, %dma_start3A_34] : memref<250x40xi32, #tpu.memory_space<vmem>> -> memref<1x40xi32, #tpu.memory_space<vmem>>
    %dma_start3A_36 = tpu.memref_squeeze %dma_start3A_35 : memref<1x40xi32, #tpu.memory_space<vmem>> -> memref<40xi32, #tpu.memory_space<vmem>>
    %dma_start3A_37 = arith.constant 0 : i32
    %dma_start3A_38 = arith.constant 0 : i32
    %dma_start3A_39 = tpu.memref_slice %arg2[%dma_start3A_37, %dma_start3A_38] : memref<10000x136xf32, #tpu.memory_space<hbm>> -> memref<10000x136xf32, #tpu.memory_space<hbm>>
    tpu.enqueue_indirect_dma source(%dma_start3A_39 : memref<10000x136xf32, #tpu.memory_space<hbm>>) target(%arg11 : memref<40x136xf32, #tpu.memory_space<vmem>>) offsets(%dma_start3A_36 : memref<40xi32, #tpu.memory_space<vmem>>) semaphore(%arg16 : memref<!tpu.dma_semaphore, #tpu.memory_space<semaphore_mem>>)
    %scan3A_40 = arith.constant 0 : i32
    %scan3A_41 = arith.constant 0 : i32
    %scan3A_42 = arith.constant 62 : i32
    %scan3A_43 = arith.addi %scan3A_41, %scan3A_42 : i32
    %scan3A_44 = arith.constant 1 : i32
    scf.for %scan3A_71 = %scan3A_41 to %scan3A_43 step %scan3A_44  : i32 {
      %mul3A_72 = arith.constant 4 : i32
      %mul3A_73 = arith.muli %scan3A_71, %mul3A_72 : i32
      %add3A_74 = arith.constant 0 : i32
      %add3A_75 = arith.addi %mul3A_73, %add3A_74 : i32
      %dma_wait3A_76 = arith.constant 0 : i32
      %dma_wait3A_77 = tpu.memref_slice %arg6[%add3A_75, %dma_wait3A_76] : memref<250x40xi32, #tpu.memory_space<vmem>> -> memref<1x40xi32, #tpu.memory_space<vmem>>
      %dma_wait3A_78 = tpu.memref_squeeze %dma_wait3A_77 : memref<1x40xi32, #tpu.memory_space<vmem>> -> memref<40xi32, #tpu.memory_space<vmem>>
      %dma_wait3A_79 = arith.constant 0 : i32
      %dma_wait3A_80 = arith.constant 0 : i32
      %dma_wait3A_81 = tpu.memref_slice %arg2[%dma_wait3A_79, %dma_wait3A_80] : memref<10000x136xf32, #tpu.memory_space<hbm>> -> memref<10000x136xf32, #tpu.memory_space<hbm>>
      tpu.wait_indirect_dma semaphore(%arg13 : memref<!tpu.dma_semaphore, #tpu.memory_space<semaphore_mem>>) src(%dma_wait3A_81 : memref<10000x136xf32, #tpu.memory_space<hbm>>) dst(%arg8 : memref<40x136xf32, #tpu.memory_space<vmem>>)
      "tpu.region"() ({
        %run_scoped3A_140 = tpu.sem_alloc : memref<!tpu.dma_semaphore, #tpu.memory_space<semaphore_mem>>
        %dma_start3A_141 = arith.constant 0 : i32
        %dma_start3A_142 = tpu.memref_slice %arg7[%add3A_75, %dma_start3A_141] : memref<250x40xi32, #tpu.memory_space<vmem>> -> memref<1x40xi32, #tpu.memory_space<vmem>>
        %dma_start3A_143 = tpu.memref_squeeze %dma_start3A_142 : memref<1x40xi32, #tpu.memory_space<vmem>> -> memref<40xi32, #tpu.memory_space<vmem>>
        %dma_start3A_144 = arith.constant 0 : i32
        %dma_start3A_145 = arith.constant 0 : i32
        %dma_start3A_146 = tpu.memref_slice %arg12[%dma_start3A_144, %dma_start3A_145] : memref<10000x136xf32, #tpu.memory_space<vmem_shared>> -> memref<10000x136xf32, #tpu.memory_space<vmem_shared>>
        tpu.enqueue_indirect_dma source(%arg8 : memref<40x136xf32, #tpu.memory_space<vmem>>) target(%dma_start3A_146 : memref<10000x136xf32, #tpu.memory_space<vmem_shared>>) offsets(%dma_start3A_143 : memref<40xi32, #tpu.memory_space<vmem>>) semaphore(%run_scoped3A_140 : memref<!tpu.dma_semaphore, #tpu.memory_space<semaphore_mem>>) {add = true}
        %dma_wait3A_147 = arith.constant 0 : i32
        %dma_wait3A_148 = tpu.memref_slice %arg7[%add3A_75, %dma_wait3A_147] : memref<250x40xi32, #tpu.memory_space<vmem>> -> memref<1x40xi32, #tpu.memory_space<vmem>>
        %dma_wait3A_149 = tpu.memref_squeeze %dma_wait3A_148 : memref<1x40xi32, #tpu.memory_space<vmem>> -> memref<40xi32, #tpu.memory_space<vmem>>
        %dma_wait3A_150 = arith.constant 0 : i32
        %dma_wait3A_151 = arith.constant 0 : i32
        %dma_wait3A_152 = tpu.memref_slice %arg12[%dma_wait3A_150, %dma_wait3A_151] : memref<10000x136xf32, #tpu.memory_space<vmem_shared>> -> memref<10000x136xf32, #tpu.memory_space<vmem_shared>>
        tpu.wait_indirect_dma semaphore(%run_scoped3A_140 : memref<!tpu.dma_semaphore, #tpu.memory_space<semaphore_mem>>) src(%arg8 : memref<40x136xf32, #tpu.memory_space<vmem>>) dst(%dma_wait3A_152 : memref<10000x136xf32, #tpu.memory_space<vmem_shared>>)
        tpu.yield
      }) : () -> ()
      %add3A_82 = arith.constant 4 : i32
      %add3A_83 = arith.addi %add3A_75, %add3A_82 : i32
      %lt3A_84 = arith.constant 250 : i32
      %lt3A_85 = arith.cmpi slt, %add3A_83, %lt3A_84 : i32
      %convert_element_type3A_86 = arith.extui %lt3A_85 : i1 to i32
      %cond3A_87 = arith.constant 0 : i32
      %cond3A_88 = arith.cmpi ne, %convert_element_type3A_86, %cond3A_87 : i32
      scf.if %cond3A_88 {
        %add3A_140 = arith.constant 4 : i32
        %add3A_141 = arith.addi %add3A_75, %add3A_140 : i32
        %dma_start3A_142 = arith.constant 0 : i32
        %dma_start3A_143 = tpu.memref_slice %arg6[%add3A_141, %dma_start3A_142] : memref<250x40xi32, #tpu.memory_space<vmem>> -> memref<1x40xi32, #tpu.memory_space<vmem>>
        %dma_start3A_144 = tpu.memref_squeeze %dma_start3A_143 : memref<1x40xi32, #tpu.memory_space<vmem>> -> memref<40xi32, #tpu.memory_space<vmem>>
        %dma_start3A_145 = arith.constant 0 : i32
        %dma_start3A_146 = arith.constant 0 : i32
        %dma_start3A_147 = tpu.memref_slice %arg2[%dma_start3A_145, %dma_start3A_146] : memref<10000x136xf32, #tpu.memory_space<hbm>> -> memref<10000x136xf32, #tpu.memory_space<hbm>>
        tpu.enqueue_indirect_dma source(%dma_start3A_147 : memref<10000x136xf32, #tpu.memory_space<hbm>>) target(%arg8 : memref<40x136xf32, #tpu.memory_space<vmem>>) offsets(%dma_start3A_144 : memref<40xi32, #tpu.memory_space<vmem>>) semaphore(%arg13 : memref<!tpu.dma_semaphore, #tpu.memory_space<semaphore_mem>>)
      } else {
      }
      %mul3A_89 = arith.constant 4 : i32
      %mul3A_90 = arith.muli %scan3A_71, %mul3A_89 : i32
      %add3A_91 = arith.constant 1 : i32
      %add3A_92 = arith.addi %mul3A_90, %add3A_91 : i32
      %dma_wait3A_93 = arith.constant 0 : i32
      %dma_wait3A_94 = tpu.memref_slice %arg6[%add3A_92, %dma_wait3A_93] : memref<250x40xi32, #tpu.memory_space<vmem>> -> memref<1x40xi32, #tpu.memory_space<vmem>>
      %dma_wait3A_95 = tpu.memref_squeeze %dma_wait3A_94 : memref<1x40xi32, #tpu.memory_space<vmem>> -> memref<40xi32, #tpu.memory_space<vmem>>
      %dma_wait3A_96 = arith.constant 0 : i32
      %dma_wait3A_97 = arith.constant 0 : i32
      %dma_wait3A_98 = tpu.memref_slice %arg2[%dma_wait3A_96, %dma_wait3A_97] : memref<10000x136xf32, #tpu.memory_space<hbm>> -> memref<10000x136xf32, #tpu.memory_space<hbm>>
      tpu.wait_indirect_dma semaphore(%arg14 : memref<!tpu.dma_semaphore, #tpu.memory_space<semaphore_mem>>) src(%dma_wait3A_98 : memref<10000x136xf32, #tpu.memory_space<hbm>>) dst(%arg9 : memref<40x136xf32, #tpu.memory_space<vmem>>)
      "tpu.region"() ({
        %run_scoped3A_140 = tpu.sem_alloc : memref<!tpu.dma_semaphore, #tpu.memory_space<semaphore_mem>>
        %dma_start3A_141 = arith.constant 0 : i32
        %dma_start3A_142 = tpu.memref_slice %arg7[%add3A_92, %dma_start3A_141] : memref<250x40xi32, #tpu.memory_space<vmem>> -> memref<1x40xi32, #tpu.memory_space<vmem>>
        %dma_start3A_143 = tpu.memref_squeeze %dma_start3A_142 : memref<1x40xi32, #tpu.memory_space<vmem>> -> memref<40xi32, #tpu.memory_space<vmem>>
        %dma_start3A_144 = arith.constant 0 : i32
        %dma_start3A_145 = arith.constant 0 : i32
        %dma_start3A_146 = tpu.memref_slice %arg12[%dma_start3A_144, %dma_start3A_145] : memref<10000x136xf32, #tpu.memory_space<vmem_shared>> -> memref<10000x136xf32, #tpu.memory_space<vmem_shared>>
        tpu.enqueue_indirect_dma source(%arg9 : memref<40x136xf32, #tpu.memory_space<vmem>>) target(%dma_start3A_146 : memref<10000x136xf32, #tpu.memory_space<vmem_shared>>) offsets(%dma_start3A_143 : memref<40xi32, #tpu.memory_space<vmem>>) semaphore(%run_scoped3A_140 : memref<!tpu.dma_semaphore, #tpu.memory_space<semaphore_mem>>) {add = true}
        %dma_wait3A_147 = arith.constant 0 : i32
        %dma_wait3A_148 = tpu.memref_slice %arg7[%add3A_92, %dma_wait3A_147] : memref<250x40xi32, #tpu.memory_space<vmem>> -> memref<1x40xi32, #tpu.memory_space<vmem>>
        %dma_wait3A_149 = tpu.memref_squeeze %dma_wait3A_148 : memref<1x40xi32, #tpu.memory_space<vmem>> -> memref<40xi32, #tpu.memory_space<vmem>>
        %dma_wait3A_150 = arith.constant 0 : i32
        %dma_wait3A_151 = arith.constant 0 : i32
        %dma_wait3A_152 = tpu.memref_slice %arg12[%dma_wait3A_150, %dma_wait3A_151] : memref<10000x136xf32, #tpu.memory_space<vmem_shared>> -> memref<10000x136xf32, #tpu.memory_space<vmem_shared>>
        tpu.wait_indirect_dma semaphore(%run_scoped3A_140 : memref<!tpu.dma_semaphore, #tpu.memory_space<semaphore_mem>>) src(%arg9 : memref<40x136xf32, #tpu.memory_space<vmem>>) dst(%dma_wait3A_152 : memref<10000x136xf32, #tpu.memory_space<vmem_shared>>)
        tpu.yield
      }) : () -> ()
      %add3A_99 = arith.constant 4 : i32
      %add3A_100 = arith.addi %add3A_92, %add3A_99 : i32
      %lt3A_101 = arith.constant 250 : i32
      %lt3A_102 = arith.cmpi slt, %add3A_100, %lt3A_101 : i32
      %convert_element_type3A_103 = arith.extui %lt3A_102 : i1 to i32
      %cond3A_104 = arith.constant 0 : i32
      %cond3A_105 = arith.cmpi ne, %convert_element_type3A_103, %cond3A_104 : i32
      scf.if %cond3A_105 {
        %add3A_140 = arith.constant 4 : i32
        %add3A_141 = arith.addi %add3A_92, %add3A_140 : i32
        %dma_start3A_142 = arith.constant 0 : i32
        %dma_start3A_143 = tpu.memref_slice %arg6[%add3A_141, %dma_start3A_142] : memref<250x40xi32, #tpu.memory_space<vmem>> -> memref<1x40xi32, #tpu.memory_space<vmem>>
        %dma_start3A_144 = tpu.memref_squeeze %dma_start3A_143 : memref<1x40xi32, #tpu.memory_space<vmem>> -> memref<40xi32, #tpu.memory_space<vmem>>
        %dma_start3A_145 = arith.constant 0 : i32
        %dma_start3A_146 = arith.constant 0 : i32
        %dma_start3A_147 = tpu.memref_slice %arg2[%dma_start3A_145, %dma_start3A_146] : memref<10000x136xf32, #tpu.memory_space<hbm>> -> memref<10000x136xf32, #tpu.memory_space<hbm>>
        tpu.enqueue_indirect_dma source(%dma_start3A_147 : memref<10000x136xf32, #tpu.memory_space<hbm>>) target(%arg9 : memref<40x136xf32, #tpu.memory_space<vmem>>) offsets(%dma_start3A_144 : memref<40xi32, #tpu.memory_space<vmem>>) semaphore(%arg14 : memref<!tpu.dma_semaphore, #tpu.memory_space<semaphore_mem>>)
      } else {
      }
      %mul3A_106 = arith.constant 4 : i32
      %mul3A_107 = arith.muli %scan3A_71, %mul3A_106 : i32
      %add3A_108 = arith.constant 2 : i32
      %add3A_109 = arith.addi %mul3A_107, %add3A_108 : i32
      %dma_wait3A_110 = arith.constant 0 : i32
      %dma_wait3A_111 = tpu.memref_slice %arg6[%add3A_109, %dma_wait3A_110] : memref<250x40xi32, #tpu.memory_space<vmem>> -> memref<1x40xi32, #tpu.memory_space<vmem>>
      %dma_wait3A_112 = tpu.memref_squeeze %dma_wait3A_111 : memref<1x40xi32, #tpu.memory_space<vmem>> -> memref<40xi32, #tpu.memory_space<vmem>>
      %dma_wait3A_113 = arith.constant 0 : i32
      %dma_wait3A_114 = arith.constant 0 : i32
      %dma_wait3A_115 = tpu.memref_slice %arg2[%dma_wait3A_113, %dma_wait3A_114] : memref<10000x136xf32, #tpu.memory_space<hbm>> -> memref<10000x136xf32, #tpu.memory_space<hbm>>
      tpu.wait_indirect_dma semaphore(%arg15 : memref<!tpu.dma_semaphore, #tpu.memory_space<semaphore_mem>>) src(%dma_wait3A_115 : memref<10000x136xf32, #tpu.memory_space<hbm>>) dst(%arg10 : memref<40x136xf32, #tpu.memory_space<vmem>>)
      "tpu.region"() ({
        %run_scoped3A_140 = tpu.sem_alloc : memref<!tpu.dma_semaphore, #tpu.memory_space<semaphore_mem>>
        %dma_start3A_141 = arith.constant 0 : i32
        %dma_start3A_142 = tpu.memref_slice %arg7[%add3A_109, %dma_start3A_141] : memref<250x40xi32, #tpu.memory_space<vmem>> -> memref<1x40xi32, #tpu.memory_space<vmem>>
        %dma_start3A_143 = tpu.memref_squeeze %dma_start3A_142 : memref<1x40xi32, #tpu.memory_space<vmem>> -> memref<40xi32, #tpu.memory_space<vmem>>
        %dma_start3A_144 = arith.constant 0 : i32
        %dma_start3A_145 = arith.constant 0 : i32
        %dma_start3A_146 = tpu.memref_slice %arg12[%dma_start3A_144, %dma_start3A_145] : memref<10000x136xf32, #tpu.memory_space<vmem_shared>> -> memref<10000x136xf32, #tpu.memory_space<vmem_shared>>
        tpu.enqueue_indirect_dma source(%arg10 : memref<40x136xf32, #tpu.memory_space<vmem>>) target(%dma_start3A_146 : memref<10000x136xf32, #tpu.memory_space<vmem_shared>>) offsets(%dma_start3A_143 : memref<40xi32, #tpu.memory_space<vmem>>) semaphore(%run_scoped3A_140 : memref<!tpu.dma_semaphore, #tpu.memory_space<semaphore_mem>>) {add = true}
        %dma_wait3A_147 = arith.constant 0 : i32
        %dma_wait3A_148 = tpu.memref_slice %arg7[%add3A_109, %dma_wait3A_147] : memref<250x40xi32, #tpu.memory_space<vmem>> -> memref<1x40xi32, #tpu.memory_space<vmem>>
        %dma_wait3A_149 = tpu.memref_squeeze %dma_wait3A_148 : memref<1x40xi32, #tpu.memory_space<vmem>> -> memref<40xi32, #tpu.memory_space<vmem>>
        %dma_wait3A_150 = arith.constant 0 : i32
        %dma_wait3A_151 = arith.constant 0 : i32
        %dma_wait3A_152 = tpu.memref_slice %arg12[%dma_wait3A_150, %dma_wait3A_151] : memref<10000x136xf32, #tpu.memory_space<vmem_shared>> -> memref<10000x136xf32, #tpu.memory_space<vmem_shared>>
        tpu.wait_indirect_dma semaphore(%run_scoped3A_140 : memref<!tpu.dma_semaphore, #tpu.memory_space<semaphore_mem>>) src(%arg10 : memref<40x136xf32, #tpu.memory_space<vmem>>) dst(%dma_wait3A_152 : memref<10000x136xf32, #tpu.memory_space<vmem_shared>>)
        tpu.yield
      }) : () -> ()
      %add3A_116 = arith.constant 4 : i32
      %add3A_117 = arith.addi %add3A_109, %add3A_116 : i32
      %lt3A_118 = arith.constant 250 : i32
      %lt3A_119 = arith.cmpi slt, %add3A_117, %lt3A_118 : i32
      %convert_element_type3A_120 = arith.extui %lt3A_119 : i1 to i32
      %cond3A_121 = arith.constant 0 : i32
      %cond3A_122 = arith.cmpi ne, %convert_element_type3A_120, %cond3A_121 : i32
      scf.if %cond3A_122 {
        %add3A_140 = arith.constant 4 : i32
        %add3A_141 = arith.addi %add3A_109, %add3A_140 : i32
        %dma_start3A_142 = arith.constant 0 : i32
        %dma_start3A_143 = tpu.memref_slice %arg6[%add3A_141, %dma_start3A_142] : memref<250x40xi32, #tpu.memory_space<vmem>> -> memref<1x40xi32, #tpu.memory_space<vmem>>
        %dma_start3A_144 = tpu.memref_squeeze %dma_start3A_143 : memref<1x40xi32, #tpu.memory_space<vmem>> -> memref<40xi32, #tpu.memory_space<vmem>>
        %dma_start3A_145 = arith.constant 0 : i32
        %dma_start3A_146 = arith.constant 0 : i32
        %dma_start3A_147 = tpu.memref_slice %arg2[%dma_start3A_145, %dma_start3A_146] : memref<10000x136xf32, #tpu.memory_space<hbm>> -> memref<10000x136xf32, #tpu.memory_space<hbm>>
        tpu.enqueue_indirect_dma source(%dma_start3A_147 : memref<10000x136xf32, #tpu.memory_space<hbm>>) target(%arg10 : memref<40x136xf32, #tpu.memory_space<vmem>>) offsets(%dma_start3A_144 : memref<40xi32, #tpu.memory_space<vmem>>) semaphore(%arg15 : memref<!tpu.dma_semaphore, #tpu.memory_space<semaphore_mem>>)
      } else {
      }
      %mul3A_123 = arith.constant 4 : i32
      %mul3A_124 = arith.muli %scan3A_71, %mul3A_123 : i32
      %add3A_125 = arith.constant 3 : i32
      %add3A_126 = arith.addi %mul3A_124, %add3A_125 : i32
      %dma_wait3A_127 = arith.constant 0 : i32
      %dma_wait3A_128 = tpu.memref_slice %arg6[%add3A_126, %dma_wait3A_127] : memref<250x40xi32, #tpu.memory_space<vmem>> -> memref<1x40xi32, #tpu.memory_space<vmem>>
      %dma_wait3A_129 = tpu.memref_squeeze %dma_wait3A_128 : memref<1x40xi32, #tpu.memory_space<vmem>> -> memref<40xi32, #tpu.memory_space<vmem>>
      %dma_wait3A_130 = arith.constant 0 : i32
      %dma_wait3A_131 = arith.constant 0 : i32
      %dma_wait3A_132 = tpu.memref_slice %arg2[%dma_wait3A_130, %dma_wait3A_131] : memref<10000x136xf32, #tpu.memory_space<hbm>> -> memref<10000x136xf32, #tpu.memory_space<hbm>>
      tpu.wait_indirect_dma semaphore(%arg16 : memref<!tpu.dma_semaphore, #tpu.memory_space<semaphore_mem>>) src(%dma_wait3A_132 : memref<10000x136xf32, #tpu.memory_space<hbm>>) dst(%arg11 : memref<40x136xf32, #tpu.memory_space<vmem>>)
      "tpu.region"() ({
        %run_scoped3A_140 = tpu.sem_alloc : memref<!tpu.dma_semaphore, #tpu.memory_space<semaphore_mem>>
        %dma_start3A_141 = arith.constant 0 : i32
        %dma_start3A_142 = tpu.memref_slice %arg7[%add3A_126, %dma_start3A_141] : memref<250x40xi32, #tpu.memory_space<vmem>> -> memref<1x40xi32, #tpu.memory_space<vmem>>
        %dma_start3A_143 = tpu.memref_squeeze %dma_start3A_142 : memref<1x40xi32, #tpu.memory_space<vmem>> -> memref<40xi32, #tpu.memory_space<vmem>>
        %dma_start3A_144 = arith.constant 0 : i32
        %dma_start3A_145 = arith.constant 0 : i32
        %dma_start3A_146 = tpu.memref_slice %arg12[%dma_start3A_144, %dma_start3A_145] : memref<10000x136xf32, #tpu.memory_space<vmem_shared>> -> memref<10000x136xf32, #tpu.memory_space<vmem_shared>>
        tpu.enqueue_indirect_dma source(%arg11 : memref<40x136xf32, #tpu.memory_space<vmem>>) target(%dma_start3A_146 : memref<10000x136xf32, #tpu.memory_space<vmem_shared>>) offsets(%dma_start3A_143 : memref<40xi32, #tpu.memory_space<vmem>>) semaphore(%run_scoped3A_140 : memref<!tpu.dma_semaphore, #tpu.memory_space<semaphore_mem>>) {add = true}
        %dma_wait3A_147 = arith.constant 0 : i32
        %dma_wait3A_148 = tpu.memref_slice %arg7[%add3A_126, %dma_wait3A_147] : memref<250x40xi32, #tpu.memory_space<vmem>> -> memref<1x40xi32, #tpu.memory_space<vmem>>
        %dma_wait3A_149 = tpu.memref_squeeze %dma_wait3A_148 : memref<1x40xi32, #tpu.memory_space<vmem>> -> memref<40xi32, #tpu.memory_space<vmem>>
        %dma_wait3A_150 = arith.constant 0 : i32
        %dma_wait3A_151 = arith.constant 0 : i32
        %dma_wait3A_152 = tpu.memref_slice %arg12[%dma_wait3A_150, %dma_wait3A_151] : memref<10000x136xf32, #tpu.memory_space<vmem_shared>> -> memref<10000x136xf32, #tpu.memory_space<vmem_shared>>
        tpu.wait_indirect_dma semaphore(%run_scoped3A_140 : memref<!tpu.dma_semaphore, #tpu.memory_space<semaphore_mem>>) src(%arg11 : memref<40x136xf32, #tpu.memory_space<vmem>>) dst(%dma_wait3A_152 : memref<10000x136xf32, #tpu.memory_space<vmem_shared>>)
        tpu.yield
      }) : () -> ()
      %add3A_133 = arith.constant 4 : i32
      %add3A_134 = arith.addi %add3A_126, %add3A_133 : i32
      %lt3A_135 = arith.constant 250 : i32
      %lt3A_136 = arith.cmpi slt, %add3A_134, %lt3A_135 : i32
      %convert_element_type3A_137 = arith.extui %lt3A_136 : i1 to i32
      %cond3A_138 = arith.constant 0 : i32
      %cond3A_139 = arith.cmpi ne, %convert_element_type3A_137, %cond3A_138 : i32
      scf.if %cond3A_139 {
        %add3A_140 = arith.constant 4 : i32
        %add3A_141 = arith.addi %add3A_126, %add3A_140 : i32
        %dma_start3A_142 = arith.constant 0 : i32
        %dma_start3A_143 = tpu.memref_slice %arg6[%add3A_141, %dma_start3A_142] : memref<250x40xi32, #tpu.memory_space<vmem>> -> memref<1x40xi32, #tpu.memory_space<vmem>>
        %dma_start3A_144 = tpu.memref_squeeze %dma_start3A_143 : memref<1x40xi32, #tpu.memory_space<vmem>> -> memref<40xi32, #tpu.memory_space<vmem>>
        %dma_start3A_145 = arith.constant 0 : i32
        %dma_start3A_146 = arith.constant 0 : i32
        %dma_start3A_147 = tpu.memref_slice %arg2[%dma_start3A_145, %dma_start3A_146] : memref<10000x136xf32, #tpu.memory_space<hbm>> -> memref<10000x136xf32, #tpu.memory_space<hbm>>
        tpu.enqueue_indirect_dma source(%dma_start3A_147 : memref<10000x136xf32, #tpu.memory_space<hbm>>) target(%arg11 : memref<40x136xf32, #tpu.memory_space<vmem>>) offsets(%dma_start3A_144 : memref<40xi32, #tpu.memory_space<vmem>>) semaphore(%arg16 : memref<!tpu.dma_semaphore, #tpu.memory_space<semaphore_mem>>)
      } else {
      }
    }
    %scan3A_45 = arith.constant 62 : i32
    %dma_wait3A = arith.constant 248 : i32
    %dma_wait3A_46 = arith.constant 0 : i32
    %dma_wait3A_47 = tpu.memref_slice %arg6[%dma_wait3A, %dma_wait3A_46] : memref<250x40xi32, #tpu.memory_space<vmem>> -> memref<1x40xi32, #tpu.memory_space<vmem>>
    %dma_wait3A_48 = tpu.memref_squeeze %dma_wait3A_47 : memref<1x40xi32, #tpu.memory_space<vmem>> -> memref<40xi32, #tpu.memory_space<vmem>>
    %dma_wait3A_49 = arith.constant 0 : i32
    %dma_wait3A_50 = arith.constant 0 : i32
    %dma_wait3A_51 = tpu.memref_slice %arg2[%dma_wait3A_49, %dma_wait3A_50] : memref<10000x136xf32, #tpu.memory_space<hbm>> -> memref<10000x136xf32, #tpu.memory_space<hbm>>
    tpu.wait_indirect_dma semaphore(%arg13 : memref<!tpu.dma_semaphore, #tpu.memory_space<semaphore_mem>>) src(%dma_wait3A_51 : memref<10000x136xf32, #tpu.memory_space<hbm>>) dst(%arg8 : memref<40x136xf32, #tpu.memory_space<vmem>>)
    %run_scoped3A = arith.constant 248 : i32
    "tpu.region"() ({
      %run_scoped3A_71 = tpu.sem_alloc : memref<!tpu.dma_semaphore, #tpu.memory_space<semaphore_mem>>
      %dma_start3A_72 = arith.constant 0 : i32
      %dma_start3A_73 = tpu.memref_slice %arg7[%run_scoped3A, %dma_start3A_72] : memref<250x40xi32, #tpu.memory_space<vmem>> -> memref<1x40xi32, #tpu.memory_space<vmem>>
      %dma_start3A_74 = tpu.memref_squeeze %dma_start3A_73 : memref<1x40xi32, #tpu.memory_space<vmem>> -> memref<40xi32, #tpu.memory_space<vmem>>
      %dma_start3A_75 = arith.constant 0 : i32
      %dma_start3A_76 = arith.constant 0 : i32
      %dma_start3A_77 = tpu.memref_slice %arg12[%dma_start3A_75, %dma_start3A_76] : memref<10000x136xf32, #tpu.memory_space<vmem_shared>> -> memref<10000x136xf32, #tpu.memory_space<vmem_shared>>
      tpu.enqueue_indirect_dma source(%arg8 : memref<40x136xf32, #tpu.memory_space<vmem>>) target(%dma_start3A_77 : memref<10000x136xf32, #tpu.memory_space<vmem_shared>>) offsets(%dma_start3A_74 : memref<40xi32, #tpu.memory_space<vmem>>) semaphore(%run_scoped3A_71 : memref<!tpu.dma_semaphore, #tpu.memory_space<semaphore_mem>>) {add = true}
      %dma_wait3A_78 = arith.constant 0 : i32
      %dma_wait3A_79 = tpu.memref_slice %arg7[%run_scoped3A, %dma_wait3A_78] : memref<250x40xi32, #tpu.memory_space<vmem>> -> memref<1x40xi32, #tpu.memory_space<vmem>>
      %dma_wait3A_80 = tpu.memref_squeeze %dma_wait3A_79 : memref<1x40xi32, #tpu.memory_space<vmem>> -> memref<40xi32, #tpu.memory_space<vmem>>
      %dma_wait3A_81 = arith.constant 0 : i32
      %dma_wait3A_82 = arith.constant 0 : i32
      %dma_wait3A_83 = tpu.memref_slice %arg12[%dma_wait3A_81, %dma_wait3A_82] : memref<10000x136xf32, #tpu.memory_space<vmem_shared>> -> memref<10000x136xf32, #tpu.memory_space<vmem_shared>>
      tpu.wait_indirect_dma semaphore(%run_scoped3A_71 : memref<!tpu.dma_semaphore, #tpu.memory_space<semaphore_mem>>) src(%arg8 : memref<40x136xf32, #tpu.memory_space<vmem>>) dst(%dma_wait3A_83 : memref<10000x136xf32, #tpu.memory_space<vmem_shared>>)
      tpu.yield
    }) : () -> ()
    %dma_wait3A_52 = arith.constant 249 : i32
    %dma_wait3A_53 = arith.constant 0 : i32
    %dma_wait3A_54 = tpu.memref_slice %arg6[%dma_wait3A_52, %dma_wait3A_53] : memref<250x40xi32, #tpu.memory_space<vmem>> -> memref<1x40xi32, #tpu.memory_space<vmem>>
    %dma_wait3A_55 = tpu.memref_squeeze %dma_wait3A_54 : memref<1x40xi32, #tpu.memory_space<vmem>> -> memref<40xi32, #tpu.memory_space<vmem>>
    %dma_wait3A_56 = arith.constant 0 : i32
    %dma_wait3A_57 = arith.constant 0 : i32
    %dma_wait3A_58 = tpu.memref_slice %arg2[%dma_wait3A_56, %dma_wait3A_57] : memref<10000x136xf32, #tpu.memory_space<hbm>> -> memref<10000x136xf32, #tpu.memory_space<hbm>>
    tpu.wait_indirect_dma semaphore(%arg14 : memref<!tpu.dma_semaphore, #tpu.memory_space<semaphore_mem>>) src(%dma_wait3A_58 : memref<10000x136xf32, #tpu.memory_space<hbm>>) dst(%arg9 : memref<40x136xf32, #tpu.memory_space<vmem>>)
    %run_scoped3A_59 = arith.constant 249 : i32
    "tpu.region"() ({
      %run_scoped3A_71 = tpu.sem_alloc : memref<!tpu.dma_semaphore, #tpu.memory_space<semaphore_mem>>
      %dma_start3A_72 = arith.constant 0 : i32
      %dma_start3A_73 = tpu.memref_slice %arg7[%run_scoped3A_59, %dma_start3A_72] : memref<250x40xi32, #tpu.memory_space<vmem>> -> memref<1x40xi32, #tpu.memory_space<vmem>>
      %dma_start3A_74 = tpu.memref_squeeze %dma_start3A_73 : memref<1x40xi32, #tpu.memory_space<vmem>> -> memref<40xi32, #tpu.memory_space<vmem>>
      %dma_start3A_75 = arith.constant 0 : i32
      %dma_start3A_76 = arith.constant 0 : i32
      %dma_start3A_77 = tpu.memref_slice %arg12[%dma_start3A_75, %dma_start3A_76] : memref<10000x136xf32, #tpu.memory_space<vmem_shared>> -> memref<10000x136xf32, #tpu.memory_space<vmem_shared>>
      tpu.enqueue_indirect_dma source(%arg9 : memref<40x136xf32, #tpu.memory_space<vmem>>) target(%dma_start3A_77 : memref<10000x136xf32, #tpu.memory_space<vmem_shared>>) offsets(%dma_start3A_74 : memref<40xi32, #tpu.memory_space<vmem>>) semaphore(%run_scoped3A_71 : memref<!tpu.dma_semaphore, #tpu.memory_space<semaphore_mem>>) {add = true}
      %dma_wait3A_78 = arith.constant 0 : i32
      %dma_wait3A_79 = tpu.memref_slice %arg7[%run_scoped3A_59, %dma_wait3A_78] : memref<250x40xi32, #tpu.memory_space<vmem>> -> memref<1x40xi32, #tpu.memory_space<vmem>>
      %dma_wait3A_80 = tpu.memref_squeeze %dma_wait3A_79 : memref<1x40xi32, #tpu.memory_space<vmem>> -> memref<40xi32, #tpu.memory_space<vmem>>
      %dma_wait3A_81 = arith.constant 0 : i32
      %dma_wait3A_82 = arith.constant 0 : i32
      %dma_wait3A_83 = tpu.memref_slice %arg12[%dma_wait3A_81, %dma_wait3A_82] : memref<10000x136xf32, #tpu.memory_space<vmem_shared>> -> memref<10000x136xf32, #tpu.memory_space<vmem_shared>>
      tpu.wait_indirect_dma semaphore(%run_scoped3A_71 : memref<!tpu.dma_semaphore, #tpu.memory_space<semaphore_mem>>) src(%arg9 : memref<40x136xf32, #tpu.memory_space<vmem>>) dst(%dma_wait3A_83 : memref<10000x136xf32, #tpu.memory_space<vmem_shared>>)
      tpu.yield
    }) : () -> ()
    %barrier3A_60 = arith.constant 0 : index
    tpu.barrier barrier_id(%barrier3A_60)
    %lt3A_61 = arith.constant 15 : i32
    %lt3A_62 = arith.cmpi slt, %arg1, %lt3A_61 : i32
    %convert_element_type3A_63 = arith.extui %lt3A_62 : i1 to i32
    %cond3A_64 = arith.constant 0 : i32
    %cond3A_65 = arith.cmpi ne, %convert_element_type3A_63, %cond3A_64 : i32
    scf.if %cond3A_65 {
      %mul3A_71 = arith.constant 640 : i32
      %mul3A_72 = arith.muli %arg1, %mul3A_71 : i32
      %mul3A_73 = arith.constant 640 : i32
      %mul3A_74 = arith.muli %arg1, %mul3A_73 : i32
      "tpu.region"() ({
        %run_scoped3A_75 = tpu.sem_alloc : memref<!tpu.dma_semaphore, #tpu.memory_space<semaphore_mem>>
        %dma_start3A_76 = arith.constant 0 : i32
        %dma_start3A_77 = tpu.memref_slice %arg5[%arg0, %mul3A_74, %dma_start3A_76] : memref<2x10000x136xf32, #tpu.memory_space<hbm>> -> memref<1x640x136xf32, #tpu.memory_space<hbm>>
        %dma_start3A_78 = tpu.memref_squeeze %dma_start3A_77 : memref<1x640x136xf32, #tpu.memory_space<hbm>> -> memref<640x136xf32, #tpu.memory_space<hbm>>
        %dma_start3A_79 = arith.constant 0 : i32
        %dma_start3A_80 = tpu.memref_slice %arg12[%mul3A_72, %dma_start3A_79] : memref<10000x136xf32, #tpu.memory_space<vmem_shared>> -> memref<640x136xf32, #tpu.memory_space<vmem_shared>>
        tpu.enqueue_dma source(%dma_start3A_80 : memref<640x136xf32, #tpu.memory_space<vmem_shared>>) target(%dma_start3A_78 : memref<640x136xf32, #tpu.memory_space<hbm>>) target_semaphore(%run_scoped3A_75 : memref<!tpu.dma_semaphore, #tpu.memory_space<semaphore_mem>>)
        %dma_wait3A_81 = arith.constant 0 : i32
        %dma_wait3A_82 = tpu.memref_slice %arg5[%arg0, %mul3A_74, %dma_wait3A_81] : memref<2x10000x136xf32, #tpu.memory_space<hbm>> -> memref<1x640x136xf32, #tpu.memory_space<hbm>>
        %dma_wait3A_83 = tpu.memref_squeeze %dma_wait3A_82 : memref<1x640x136xf32, #tpu.memory_space<hbm>> -> memref<640x136xf32, #tpu.memory_space<hbm>>
        %dma_wait3A_84 = arith.constant 0 : i32
        %dma_wait3A_85 = tpu.memref_slice %arg12[%mul3A_72, %dma_wait3A_84] : memref<10000x136xf32, #tpu.memory_space<vmem_shared>> -> memref<640x136xf32, #tpu.memory_space<vmem_shared>>
        tpu.wait_dma2 semaphore(%run_scoped3A_75 : memref<!tpu.dma_semaphore, #tpu.memory_space<semaphore_mem>>) src(%dma_wait3A_85 : memref<640x136xf32, #tpu.memory_space<vmem_shared>>) dst(%dma_wait3A_83 : memref<640x136xf32, #tpu.memory_space<hbm>>)
        tpu.yield
      }) : () -> ()
    } else {
    }
    %eq3A_66 = arith.constant 15 : i32
    %eq3A_67 = arith.cmpi eq, %arg1, %eq3A_66 : i32
    %convert_element_type3A_68 = arith.extui %eq3A_67 : i1 to i32
    %cond3A_69 = arith.constant 0 : i32
    %cond3A_70 = arith.cmpi ne, %convert_element_type3A_68, %cond3A_69 : i32
    scf.if %cond3A_70 {
      "tpu.region"() ({
        %run_scoped3A_71 = tpu.sem_alloc : memref<!tpu.dma_semaphore, #tpu.memory_space<semaphore_mem>>
        %dma_start3A_72 = arith.constant 9600 : i32
        %dma_start3A_73 = arith.constant 0 : i32
        %dma_start3A_74 = tpu.memref_slice %arg5[%arg0, %dma_start3A_72, %dma_start3A_73] : memref<2x10000x136xf32, #tpu.memory_space<hbm>> -> memref<1x400x136xf32, #tpu.memory_space<hbm>>
        %dma_start3A_75 = tpu.memref_squeeze %dma_start3A_74 : memref<1x400x136xf32, #tpu.memory_space<hbm>> -> memref<400x136xf32, #tpu.memory_space<hbm>>
        %dma_start3A_76 = arith.constant 9600 : i32
        %dma_start3A_77 = arith.constant 0 : i32
        %dma_start3A_78 = tpu.memref_slice %arg12[%dma_start3A_76, %dma_start3A_77] : memref<10000x136xf32, #tpu.memory_space<vmem_shared>> -> memref<400x136xf32, #tpu.memory_space<vmem_shared>>
        tpu.enqueue_dma source(%dma_start3A_78 : memref<400x136xf32, #tpu.memory_space<vmem_shared>>) target(%dma_start3A_75 : memref<400x136xf32, #tpu.memory_space<hbm>>) target_semaphore(%run_scoped3A_71 : memref<!tpu.dma_semaphore, #tpu.memory_space<semaphore_mem>>)
        %dma_wait3A_79 = arith.constant 9600 : i32
        %dma_wait3A_80 = arith.constant 0 : i32
        %dma_wait3A_81 = tpu.memref_slice %arg5[%arg0, %dma_wait3A_79, %dma_wait3A_80] : memref<2x10000x136xf32, #tpu.memory_space<hbm>> -> memref<1x400x136xf32, #tpu.memory_space<hbm>>
        %dma_wait3A_82 = tpu.memref_squeeze %dma_wait3A_81 : memref<1x400x136xf32, #tpu.memory_space<hbm>> -> memref<400x136xf32, #tpu.memory_space<hbm>>
        %dma_wait3A_83 = arith.constant 9600 : i32
        %dma_wait3A_84 = arith.constant 0 : i32
        %dma_wait3A_85 = tpu.memref_slice %arg12[%dma_wait3A_83, %dma_wait3A_84] : memref<10000x136xf32, #tpu.memory_space<vmem_shared>> -> memref<400x136xf32, #tpu.memory_space<vmem_shared>>
        tpu.wait_dma2 semaphore(%run_scoped3A_71 : memref<!tpu.dma_semaphore, #tpu.memory_space<semaphore_mem>>) src(%dma_wait3A_85 : memref<400x136xf32, #tpu.memory_space<vmem_shared>>) dst(%dma_wait3A_82 : memref<400x136xf32, #tpu.memory_space<hbm>>)
        tpu.yield
      }) : () -> ()
    } else {
    }
    return
  }
}

#map = affine_map<(d0, d1) -> (0, 0)>
#map1 = affine_map<(d0, d1) -> (0, 0, 0)>
module attributes {stable_mosaic.version = 14 : i64} {
  func.func @body(%arg0: i32, %arg1: i32, %arg2: memref<10000x128xf32, #tpu.memory_space<hbm>>, %arg3: memref<32x250x40xi32, #tpu.memory_space<hbm>>, %arg4: memref<32x250x40xi32, #tpu.memory_space<hbm>>, %arg5: memref<2x10000x128xf32, #tpu.memory_space<hbm>>, %arg6: memref<250x40xi32, #tpu.memory_space<vmem>>, %arg7: memref<250x40xi32, #tpu.memory_space<vmem>>, %arg8: memref<40x128xf32, #tpu.memory_space<vmem>>, %arg9: memref<40x128xf32, #tpu.memory_space<vmem>>, %arg10: memref<40x128xf32, #tpu.memory_space<vmem>>, %arg11: memref<40x128xf32, #tpu.memory_space<vmem>>, %arg12: memref<10000x128xf32, #tpu.memory_space<vmem_shared>>, %arg13: memref<!tpu.dma_semaphore, #tpu.memory_space<semaphore_mem>>, %arg14: memref<!tpu.dma_semaphore, #tpu.memory_space<semaphore_mem>>, %arg15: memref<!tpu.dma_semaphore, #tpu.memory_space<semaphore_mem>>, %arg16: memref<!tpu.dma_semaphore, #tpu.memory_space<semaphore_mem>>) attributes {dimension_semantics = [#tpu.dimension_semantics<core_parallel>, #tpu.dimension_semantics<subcore_parallel>], iteration_bounds = array<i64: 2, 16>, scalar_prefetch = 0 : i64, scratch_operands = 11 : i64, tpu.core_type = #tpu.core_type<sc_vector_subcore>, window_params = [{transform_indices = #map}, {transform_indices = #map1}, {transform_indices = #map1}, {transform_indices = #map1}]} {
    %mul3A = arith.constant 16 : i32
    %mul3A_0 = arith.muli %arg0, %mul3A : i32
    %add3A = arith.addi %mul3A_0, %arg1 : i32
    %broadcast_in_dim3A = arith.constant 0.000000e+00 : f32
    %broadcast_in_dim3A_1 = vector.broadcast %broadcast_in_dim3A : f32 to vector<16xf32>
    %scan3A = arith.constant 0 : i32
    %scan3A_2 = arith.constant 0 : i32
    %scan3A_3 = arith.constant 40 : i32
    %scan3A_4 = arith.addi %scan3A_2, %scan3A_3 : i32
    %scan3A_5 = arith.constant 1 : i32
    scf.for %scan3A_71 = %scan3A_2 to %scan3A_4 step %scan3A_5  : i32 {
      %swap3A = arith.index_cast %scan3A_71 : i32 to index
      %swap3A_72 = arith.constant 0 : index
      %swap3A_73 = tpu.vector_load %arg8[%swap3A, %swap3A_72] {strides = array<i32>} : memref<40x128xf32, #tpu.memory_space<vmem>>, vector<1x16xf32>,
      %swap3A_74 = vector.shape_cast %swap3A_73 : vector<1x16xf32> to vector<16xf32>
      %swap3A_75 = vector.shape_cast %broadcast_in_dim3A_1 : vector<16xf32> to vector<1x16xf32>
      tpu.vector_store %arg8[%swap3A, %swap3A_72], %swap3A_75 {strides = array<i32>} : memref<40x128xf32, #tpu.memory_space<vmem>>, vector<1x16xf32>,
      %swap3A_76 = arith.index_cast %scan3A_71 : i32 to index
      %swap3A_77 = arith.constant 16 : index
      %swap3A_78 = tpu.vector_load %arg8[%swap3A_76, %swap3A_77] {strides = array<i32>} : memref<40x128xf32, #tpu.memory_space<vmem>>, vector<1x16xf32>,
      %swap3A_79 = vector.shape_cast %swap3A_78 : vector<1x16xf32> to vector<16xf32>
      %swap3A_80 = vector.shape_cast %broadcast_in_dim3A_1 : vector<16xf32> to vector<1x16xf32>
      tpu.vector_store %arg8[%swap3A_76, %swap3A_77], %swap3A_80 {strides = array<i32>} : memref<40x128xf32, #tpu.memory_space<vmem>>, vector<1x16xf32>,
      %swap3A_81 = arith.index_cast %scan3A_71 : i32 to index
      %swap3A_82 = arith.constant 32 : index
      %swap3A_83 = tpu.vector_load %arg8[%swap3A_81, %swap3A_82] {strides = array<i32>} : memref<40x128xf32, #tpu.memory_space<vmem>>, vector<1x16xf32>,
      %swap3A_84 = vector.shape_cast %swap3A_83 : vector<1x16xf32> to vector<16xf32>
      %swap3A_85 = vector.shape_cast %broadcast_in_dim3A_1 : vector<16xf32> to vector<1x16xf32>
      tpu.vector_store %arg8[%swap3A_81, %swap3A_82], %swap3A_85 {strides = array<i32>} : memref<40x128xf32, #tpu.memory_space<vmem>>, vector<1x16xf32>,
      %swap3A_86 = arith.index_cast %scan3A_71 : i32 to index
      %swap3A_87 = arith.constant 48 : index
      %swap3A_88 = tpu.vector_load %arg8[%swap3A_86, %swap3A_87] {strides = array<i32>} : memref<40x128xf32, #tpu.memory_space<vmem>>, vector<1x16xf32>,
      %swap3A_89 = vector.shape_cast %swap3A_88 : vector<1x16xf32> to vector<16xf32>
      %swap3A_90 = vector.shape_cast %broadcast_in_dim3A_1 : vector<16xf32> to vector<1x16xf32>
      tpu.vector_store %arg8[%swap3A_86, %swap3A_87], %swap3A_90 {strides = array<i32>} : memref<40x128xf32, #tpu.memory_space<vmem>>, vector<1x16xf32>,
      %swap3A_91 = arith.index_cast %scan3A_71 : i32 to index
      %swap3A_92 = arith.constant 64 : index
      %swap3A_93 = tpu.vector_load %arg8[%swap3A_91, %swap3A_92] {strides = array<i32>} : memref<40x128xf32, #tpu.memory_space<vmem>>, vector<1x16xf32>,
      %swap3A_94 = vector.shape_cast %swap3A_93 : vector<1x16xf32> to vector<16xf32>
      %swap3A_95 = vector.shape_cast %broadcast_in_dim3A_1 : vector<16xf32> to vector<1x16xf32>
      tpu.vector_store %arg8[%swap3A_91, %swap3A_92], %swap3A_95 {strides = array<i32>} : memref<40x128xf32, #tpu.memory_space<vmem>>, vector<1x16xf32>,
      %swap3A_96 = arith.index_cast %scan3A_71 : i32 to index
      %swap3A_97 = arith.constant 80 : index
      %swap3A_98 = tpu.vector_load %arg8[%swap3A_96, %swap3A_97] {strides = array<i32>} : memref<40x128xf32, #tpu.memory_space<vmem>>, vector<1x16xf32>,
      %swap3A_99 = vector.shape_cast %swap3A_98 : vector<1x16xf32> to vector<16xf32>
      %swap3A_100 = vector.shape_cast %broadcast_in_dim3A_1 : vector<16xf32> to vector<1x16xf32>
      tpu.vector_store %arg8[%swap3A_96, %swap3A_97], %swap3A_100 {strides = array<i32>} : memref<40x128xf32, #tpu.memory_space<vmem>>, vector<1x16xf32>,
      %swap3A_101 = arith.index_cast %scan3A_71 : i32 to index
      %swap3A_102 = arith.constant 96 : index
      %swap3A_103 = tpu.vector_load %arg8[%swap3A_101, %swap3A_102] {strides = array<i32>} : memref<40x128xf32, #tpu.memory_space<vmem>>, vector<1x16xf32>,
      %swap3A_104 = vector.shape_cast %swap3A_103 : vector<1x16xf32> to vector<16xf32>
      %swap3A_105 = vector.shape_cast %broadcast_in_dim3A_1 : vector<16xf32> to vector<1x16xf32>
      tpu.vector_store %arg8[%swap3A_101, %swap3A_102], %swap3A_105 {strides = array<i32>} : memref<40x128xf32, #tpu.memory_space<vmem>>, vector<1x16xf32>,
      %swap3A_106 = arith.index_cast %scan3A_71 : i32 to index
      %swap3A_107 = arith.constant 112 : index
      %swap3A_108 = tpu.vector_load %arg8[%swap3A_106, %swap3A_107] {strides = array<i32>} : memref<40x128xf32, #tpu.memory_space<vmem>>, vector<1x16xf32>,
      %swap3A_109 = vector.shape_cast %swap3A_108 : vector<1x16xf32> to vector<16xf32>
      %swap3A_110 = vector.shape_cast %broadcast_in_dim3A_1 : vector<16xf32> to vector<1x16xf32>
      tpu.vector_store %arg8[%swap3A_106, %swap3A_107], %swap3A_110 {strides = array<i32>} : memref<40x128xf32, #tpu.memory_space<vmem>>, vector<1x16xf32>,
    }
    %scan3A_6 = arith.constant 40 : i32
    %lt3A = arith.constant 15 : i32
    %lt3A_7 = arith.cmpi slt, %arg1, %lt3A : i32
    %convert_element_type3A = arith.extui %lt3A_7 : i1 to i32
    %cond3A = arith.constant 0 : i32
    %cond3A_8 = arith.cmpi ne, %convert_element_type3A, %cond3A : i32
    scf.if %cond3A_8 {
      %scan3A_71 = arith.constant 0 : i32
      %scan3A_72 = arith.constant 0 : i32
      %scan3A_73 = arith.constant 16 : i32
      %scan3A_74 = arith.addi %scan3A_72, %scan3A_73 : i32
      %scan3A_75 = arith.constant 1 : i32
      scf.for %scan3A_77 = %scan3A_72 to %scan3A_74 step %scan3A_75  : i32 {
        %mul3A_78 = arith.constant 640 : i32
        %mul3A_79 = arith.muli %arg1, %mul3A_78 : i32
        %mul3A_80 = arith.constant 40 : i32
        %mul3A_81 = arith.muli %scan3A_77, %mul3A_80 : i32
        %add3A_82 = arith.addi %mul3A_79, %mul3A_81 : i32
        "tpu.region"() ({
          %run_scoped3A_83 = tpu.sem_alloc : memref<!tpu.dma_semaphore, #tpu.memory_space<semaphore_mem>>
          %dma_start3A_84 = arith.constant 0 : i32
          %dma_start3A_85 = tpu.memref_slice %arg12[%add3A_82, %dma_start3A_84] : memref<10000x128xf32, #tpu.memory_space<vmem_shared>> -> memref<40x128xf32, #tpu.memory_space<vmem_shared>>
          %dma_start3A_86 = arith.constant 0 : i32
          %dma_start3A_87 = tpu.memref_slice %arg12[%add3A_82, %dma_start3A_86] : memref<10000x128xf32, #tpu.memory_space<vmem_shared>> -> memref<40x128xf32, #tpu.memory_space<vmem_shared>>
          tpu.enqueue_dma source(%arg8 : memref<40x128xf32, #tpu.memory_space<vmem>>) target(%dma_start3A_87 : memref<40x128xf32, #tpu.memory_space<vmem_shared>>) target_semaphore(%run_scoped3A_83 : memref<!tpu.dma_semaphore, #tpu.memory_space<semaphore_mem>>)
          %dma_wait3A_88 = arith.constant 0 : i32
          %dma_wait3A_89 = tpu.memref_slice %arg12[%add3A_82, %dma_wait3A_88] : memref<10000x128xf32, #tpu.memory_space<vmem_shared>> -> memref<40x128xf32, #tpu.memory_space<vmem_shared>>
          %dma_wait3A_90 = arith.constant 0 : i32
          %dma_wait3A_91 = tpu.memref_slice %arg12[%add3A_82, %dma_wait3A_90] : memref<10000x128xf32, #tpu.memory_space<vmem_shared>> -> memref<40x128xf32, #tpu.memory_space<vmem_shared>>
          tpu.wait_dma2 semaphore(%run_scoped3A_83 : memref<!tpu.dma_semaphore, #tpu.memory_space<semaphore_mem>>) src(%arg8 : memref<40x128xf32, #tpu.memory_space<vmem>>) dst(%dma_wait3A_91 : memref<40x128xf32, #tpu.memory_space<vmem_shared>>)
          tpu.yield
        }) : () -> ()
      }
      %scan3A_76 = arith.constant 16 : i32
    } else {
    }
    %eq3A = arith.constant 15 : i32
    %eq3A_9 = arith.cmpi eq, %arg1, %eq3A : i32
    %convert_element_type3A_10 = arith.extui %eq3A_9 : i1 to i32
    %cond3A_11 = arith.constant 0 : i32
    %cond3A_12 = arith.cmpi ne, %convert_element_type3A_10, %cond3A_11 : i32
    scf.if %cond3A_12 {
      %scan3A_71 = arith.constant 0 : i32
      %scan3A_72 = arith.constant 0 : i32
      %scan3A_73 = arith.constant 10 : i32
      %scan3A_74 = arith.addi %scan3A_72, %scan3A_73 : i32
      %scan3A_75 = arith.constant 1 : i32
      scf.for %scan3A_77 = %scan3A_72 to %scan3A_74 step %scan3A_75  : i32 {
        %mul3A_78 = arith.constant 640 : i32
        %mul3A_79 = arith.muli %arg1, %mul3A_78 : i32
        %mul3A_80 = arith.constant 40 : i32
        %mul3A_81 = arith.muli %scan3A_77, %mul3A_80 : i32
        %add3A_82 = arith.addi %mul3A_79, %mul3A_81 : i32
        "tpu.region"() ({
          %run_scoped3A_83 = tpu.sem_alloc : memref<!tpu.dma_semaphore, #tpu.memory_space<semaphore_mem>>
          %dma_start3A_84 = arith.constant 0 : i32
          %dma_start3A_85 = tpu.memref_slice %arg12[%add3A_82, %dma_start3A_84] : memref<10000x128xf32, #tpu.memory_space<vmem_shared>> -> memref<40x128xf32, #tpu.memory_space<vmem_shared>>
          %dma_start3A_86 = arith.constant 0 : i32
          %dma_start3A_87 = tpu.memref_slice %arg12[%add3A_82, %dma_start3A_86] : memref<10000x128xf32, #tpu.memory_space<vmem_shared>> -> memref<40x128xf32, #tpu.memory_space<vmem_shared>>
          tpu.enqueue_dma source(%arg8 : memref<40x128xf32, #tpu.memory_space<vmem>>) target(%dma_start3A_87 : memref<40x128xf32, #tpu.memory_space<vmem_shared>>) target_semaphore(%run_scoped3A_83 : memref<!tpu.dma_semaphore, #tpu.memory_space<semaphore_mem>>)
          %dma_wait3A_88 = arith.constant 0 : i32
          %dma_wait3A_89 = tpu.memref_slice %arg12[%add3A_82, %dma_wait3A_88] : memref<10000x128xf32, #tpu.memory_space<vmem_shared>> -> memref<40x128xf32, #tpu.memory_space<vmem_shared>>
          %dma_wait3A_90 = arith.constant 0 : i32
          %dma_wait3A_91 = tpu.memref_slice %arg12[%add3A_82, %dma_wait3A_90] : memref<10000x128xf32, #tpu.memory_space<vmem_shared>> -> memref<40x128xf32, #tpu.memory_space<vmem_shared>>
          tpu.wait_dma2 semaphore(%run_scoped3A_83 : memref<!tpu.dma_semaphore, #tpu.memory_space<semaphore_mem>>) src(%arg8 : memref<40x128xf32, #tpu.memory_space<vmem>>) dst(%dma_wait3A_91 : memref<40x128xf32, #tpu.memory_space<vmem_shared>>)
          tpu.yield
        }) : () -> ()
      }
      %scan3A_76 = arith.constant 10 : i32
    } else {
    }
    "tpu.region"() ({
      %run_scoped3A_71 = tpu.sem_alloc : memref<!tpu.dma_semaphore, #tpu.memory_space<semaphore_mem>>
      %dma_start3A_72 = arith.constant 0 : i32
      %dma_start3A_73 = arith.constant 0 : i32
      %dma_start3A_74 = tpu.memref_slice %arg3[%add3A, %dma_start3A_72, %dma_start3A_73] : memref<32x250x40xi32, #tpu.memory_space<hbm>> -> memref<1x250x40xi32, #tpu.memory_space<hbm>>
      %dma_start3A_75 = tpu.memref_squeeze %dma_start3A_74 : memref<1x250x40xi32, #tpu.memory_space<hbm>> -> memref<250x40xi32, #tpu.memory_space<hbm>>
      %dma_start3A_76 = arith.constant 0 : i32
      %dma_start3A_77 = arith.constant 0 : i32
      %dma_start3A_78 = tpu.memref_slice %arg3[%add3A, %dma_start3A_76, %dma_start3A_77] : memref<32x250x40xi32, #tpu.memory_space<hbm>> -> memref<1x250x40xi32, #tpu.memory_space<hbm>>
      %dma_start3A_79 = tpu.memref_squeeze %dma_start3A_78 : memref<1x250x40xi32, #tpu.memory_space<hbm>> -> memref<250x40xi32, #tpu.memory_space<hbm>>
      tpu.enqueue_dma source(%dma_start3A_79 : memref<250x40xi32, #tpu.memory_space<hbm>>) target(%arg6 : memref<250x40xi32, #tpu.memory_space<vmem>>) target_semaphore(%run_scoped3A_71 : memref<!tpu.dma_semaphore, #tpu.memory_space<semaphore_mem>>)
      %dma_wait3A_80 = arith.constant 0 : i32
      %dma_wait3A_81 = arith.constant 0 : i32
      %dma_wait3A_82 = tpu.memref_slice %arg3[%add3A, %dma_wait3A_80, %dma_wait3A_81] : memref<32x250x40xi32, #tpu.memory_space<hbm>> -> memref<1x250x40xi32, #tpu.memory_space<hbm>>
      %dma_wait3A_83 = tpu.memref_squeeze %dma_wait3A_82 : memref<1x250x40xi32, #tpu.memory_space<hbm>> -> memref<250x40xi32, #tpu.memory_space<hbm>>
      %dma_wait3A_84 = arith.constant 0 : i32
      %dma_wait3A_85 = arith.constant 0 : i32
      %dma_wait3A_86 = tpu.memref_slice %arg3[%add3A, %dma_wait3A_84, %dma_wait3A_85] : memref<32x250x40xi32, #tpu.memory_space<hbm>> -> memref<1x250x40xi32, #tpu.memory_space<hbm>>
      %dma_wait3A_87 = tpu.memref_squeeze %dma_wait3A_86 : memref<1x250x40xi32, #tpu.memory_space<hbm>> -> memref<250x40xi32, #tpu.memory_space<hbm>>
      tpu.wait_dma2 semaphore(%run_scoped3A_71 : memref<!tpu.dma_semaphore, #tpu.memory_space<semaphore_mem>>) src(%dma_wait3A_87 : memref<250x40xi32, #tpu.memory_space<hbm>>) dst(%arg6 : memref<250x40xi32, #tpu.memory_space<vmem>>)
      tpu.yield
    }) : () -> ()
    "tpu.region"() ({
      %run_scoped3A_71 = tpu.sem_alloc : memref<!tpu.dma_semaphore, #tpu.memory_space<semaphore_mem>>
      %dma_start3A_72 = arith.constant 0 : i32
      %dma_start3A_73 = arith.constant 0 : i32
      %dma_start3A_74 = tpu.memref_slice %arg4[%add3A, %dma_start3A_72, %dma_start3A_73] : memref<32x250x40xi32, #tpu.memory_space<hbm>> -> memref<1x250x40xi32, #tpu.memory_space<hbm>>
      %dma_start3A_75 = tpu.memref_squeeze %dma_start3A_74 : memref<1x250x40xi32, #tpu.memory_space<hbm>> -> memref<250x40xi32, #tpu.memory_space<hbm>>
      %dma_start3A_76 = arith.constant 0 : i32
      %dma_start3A_77 = arith.constant 0 : i32
      %dma_start3A_78 = tpu.memref_slice %arg4[%add3A, %dma_start3A_76, %dma_start3A_77] : memref<32x250x40xi32, #tpu.memory_space<hbm>> -> memref<1x250x40xi32, #tpu.memory_space<hbm>>
      %dma_start3A_79 = tpu.memref_squeeze %dma_start3A_78 : memref<1x250x40xi32, #tpu.memory_space<hbm>> -> memref<250x40xi32, #tpu.memory_space<hbm>>
      tpu.enqueue_dma source(%dma_start3A_79 : memref<250x40xi32, #tpu.memory_space<hbm>>) target(%arg7 : memref<250x40xi32, #tpu.memory_space<vmem>>) target_semaphore(%run_scoped3A_71 : memref<!tpu.dma_semaphore, #tpu.memory_space<semaphore_mem>>)
      %dma_wait3A_80 = arith.constant 0 : i32
      %dma_wait3A_81 = arith.constant 0 : i32
      %dma_wait3A_82 = tpu.memref_slice %arg4[%add3A, %dma_wait3A_80, %dma_wait3A_81] : memref<32x250x40xi32, #tpu.memory_space<hbm>> -> memref<1x250x40xi32, #tpu.memory_space<hbm>>
      %dma_wait3A_83 = tpu.memref_squeeze %dma_wait3A_82 : memref<1x250x40xi32, #tpu.memory_space<hbm>> -> memref<250x40xi32, #tpu.memory_space<hbm>>
      %dma_wait3A_84 = arith.constant 0 : i32
      %dma_wait3A_85 = arith.constant 0 : i32
      %dma_wait3A_86 = tpu.memref_slice %arg4[%add3A, %dma_wait3A_84, %dma_wait3A_85] : memref<32x250x40xi32, #tpu.memory_space<hbm>> -> memref<1x250x40xi32, #tpu.memory_space<hbm>>
      %dma_wait3A_87 = tpu.memref_squeeze %dma_wait3A_86 : memref<1x250x40xi32, #tpu.memory_space<hbm>> -> memref<250x40xi32, #tpu.memory_space<hbm>>
      tpu.wait_dma2 semaphore(%run_scoped3A_71 : memref<!tpu.dma_semaphore, #tpu.memory_space<semaphore_mem>>) src(%dma_wait3A_87 : memref<250x40xi32, #tpu.memory_space<hbm>>) dst(%arg7 : memref<250x40xi32, #tpu.memory_space<vmem>>)
      tpu.yield
    }) : () -> ()
    %barrier3A = arith.constant 0 : index
    tpu.barrier barrier_id(%barrier3A)
    %dma_start3A = arith.constant 0 : i32
    %dma_start3A_13 = arith.constant 0 : i32
    %dma_start3A_14 = tpu.memref_slice %arg6[%dma_start3A, %dma_start3A_13] : memref<250x40xi32, #tpu.memory_space<vmem>> -> memref<1x40xi32, #tpu.memory_space<vmem>>
    %dma_start3A_15 = tpu.memref_squeeze %dma_start3A_14 : memref<1x40xi32, #tpu.memory_space<vmem>> -> memref<40xi32, #tpu.memory_space<vmem>>
    %dma_start3A_16 = arith.constant 0 : i32
    %dma_start3A_17 = arith.constant 0 : i32
    %dma_start3A_18 = tpu.memref_slice %arg2[%dma_start3A_16, %dma_start3A_17] : memref<10000x128xf32, #tpu.memory_space<hbm>> -> memref<10000x128xf32, #tpu.memory_space<hbm>>
    tpu.enqueue_indirect_dma source(%dma_start3A_18 : memref<10000x128xf32, #tpu.memory_space<hbm>>) target(%arg8 : memref<40x128xf32, #tpu.memory_space<vmem>>) offsets(%dma_start3A_15 : memref<40xi32, #tpu.memory_space<vmem>>) semaphore(%arg13 : memref<!tpu.dma_semaphore, #tpu.memory_space<semaphore_mem>>)
    %dma_start3A_19 = arith.constant 1 : i32
    %dma_start3A_20 = arith.constant 0 : i32
    %dma_start3A_21 = tpu.memref_slice %arg6[%dma_start3A_19, %dma_start3A_20] : memref<250x40xi32, #tpu.memory_space<vmem>> -> memref<1x40xi32, #tpu.memory_space<vmem>>
    %dma_start3A_22 = tpu.memref_squeeze %dma_start3A_21 : memref<1x40xi32, #tpu.memory_space<vmem>> -> memref<40xi32, #tpu.memory_space<vmem>>
    %dma_start3A_23 = arith.constant 0 : i32
    %dma_start3A_24 = arith.constant 0 : i32
    %dma_start3A_25 = tpu.memref_slice %arg2[%dma_start3A_23, %dma_start3A_24] : memref<10000x128xf32, #tpu.memory_space<hbm>> -> memref<10000x128xf32, #tpu.memory_space<hbm>>
    tpu.enqueue_indirect_dma source(%dma_start3A_25 : memref<10000x128xf32, #tpu.memory_space<hbm>>) target(%arg9 : memref<40x128xf32, #tpu.memory_space<vmem>>) offsets(%dma_start3A_22 : memref<40xi32, #tpu.memory_space<vmem>>) semaphore(%arg14 : memref<!tpu.dma_semaphore, #tpu.memory_space<semaphore_mem>>)
    %dma_start3A_26 = arith.constant 2 : i32
    %dma_start3A_27 = arith.constant 0 : i32
    %dma_start3A_28 = tpu.memref_slice %arg6[%dma_start3A_26, %dma_start3A_27] : memref<250x40xi32, #tpu.memory_space<vmem>> -> memref<1x40xi32, #tpu.memory_space<vmem>>
    %dma_start3A_29 = tpu.memref_squeeze %dma_start3A_28 : memref<1x40xi32, #tpu.memory_space<vmem>> -> memref<40xi32, #tpu.memory_space<vmem>>
    %dma_start3A_30 = arith.constant 0 : i32
    %dma_start3A_31 = arith.constant 0 : i32
    %dma_start3A_32 = tpu.memref_slice %arg2[%dma_start3A_30, %dma_start3A_31] : memref<10000x128xf32, #tpu.memory_space<hbm>> -> memref<10000x128xf32, #tpu.memory_space<hbm>>
    tpu.enqueue_indirect_dma source(%dma_start3A_32 : memref<10000x128xf32, #tpu.memory_space<hbm>>) target(%arg10 : memref<40x128xf32, #tpu.memory_space<vmem>>) offsets(%dma_start3A_29 : memref<40xi32, #tpu.memory_space<vmem>>) semaphore(%arg15 : memref<!tpu.dma_semaphore, #tpu.memory_space<semaphore_mem>>)
    %dma_start3A_33 = arith.constant 3 : i32
    %dma_start3A_34 = arith.constant 0 : i32
    %dma_start3A_35 = tpu.memref_slice %arg6[%dma_start3A_33, %dma_start3A_34] : memref<250x40xi32, #tpu.memory_space<vmem>> -> memref<1x40xi32, #tpu.memory_space<vmem>>
    %dma_start3A_36 = tpu.memref_squeeze %dma_start3A_35 : memref<1x40xi32, #tpu.memory_space<vmem>> -> memref<40xi32, #tpu.memory_space<vmem>>
    %dma_start3A_37 = arith.constant 0 : i32
    %dma_start3A_38 = arith.constant 0 : i32
    %dma_start3A_39 = tpu.memref_slice %arg2[%dma_start3A_37, %dma_start3A_38] : memref<10000x128xf32, #tpu.memory_space<hbm>> -> memref<10000x128xf32, #tpu.memory_space<hbm>>
    tpu.enqueue_indirect_dma source(%dma_start3A_39 : memref<10000x128xf32, #tpu.memory_space<hbm>>) target(%arg11 : memref<40x128xf32, #tpu.memory_space<vmem>>) offsets(%dma_start3A_36 : memref<40xi32, #tpu.memory_space<vmem>>) semaphore(%arg16 : memref<!tpu.dma_semaphore, #tpu.memory_space<semaphore_mem>>)
    %scan3A_40 = arith.constant 0 : i32
    %scan3A_41 = arith.constant 0 : i32
    %scan3A_42 = arith.constant 62 : i32
    %scan3A_43 = arith.addi %scan3A_41, %scan3A_42 : i32
    %scan3A_44 = arith.constant 1 : i32
    scf.for %scan3A_71 = %scan3A_41 to %scan3A_43 step %scan3A_44  : i32 {
      %mul3A_72 = arith.constant 4 : i32
      %mul3A_73 = arith.muli %scan3A_71, %mul3A_72 : i32
      %add3A_74 = arith.constant 0 : i32
      %add3A_75 = arith.addi %mul3A_73, %add3A_74 : i32
      %dma_wait3A_76 = arith.constant 0 : i32
      %dma_wait3A_77 = tpu.memref_slice %arg6[%add3A_75, %dma_wait3A_76] : memref<250x40xi32, #tpu.memory_space<vmem>> -> memref<1x40xi32, #tpu.memory_space<vmem>>
      %dma_wait3A_78 = tpu.memref_squeeze %dma_wait3A_77 : memref<1x40xi32, #tpu.memory_space<vmem>> -> memref<40xi32, #tpu.memory_space<vmem>>
      %dma_wait3A_79 = arith.constant 0 : i32
      %dma_wait3A_80 = arith.constant 0 : i32
      %dma_wait3A_81 = tpu.memref_slice %arg2[%dma_wait3A_79, %dma_wait3A_80] : memref<10000x128xf32, #tpu.memory_space<hbm>> -> memref<10000x128xf32, #tpu.memory_space<hbm>>
      tpu.wait_indirect_dma semaphore(%arg13 : memref<!tpu.dma_semaphore, #tpu.memory_space<semaphore_mem>>) src(%dma_wait3A_81 : memref<10000x128xf32, #tpu.memory_space<hbm>>) dst(%arg8 : memref<40x128xf32, #tpu.memory_space<vmem>>)
      "tpu.region"() ({
        %run_scoped3A_140 = tpu.sem_alloc : memref<!tpu.dma_semaphore, #tpu.memory_space<semaphore_mem>>
        %dma_start3A_141 = arith.constant 0 : i32
        %dma_start3A_142 = tpu.memref_slice %arg7[%add3A_75, %dma_start3A_141] : memref<250x40xi32, #tpu.memory_space<vmem>> -> memref<1x40xi32, #tpu.memory_space<vmem>>
        %dma_start3A_143 = tpu.memref_squeeze %dma_start3A_142 : memref<1x40xi32, #tpu.memory_space<vmem>> -> memref<40xi32, #tpu.memory_space<vmem>>
        %dma_start3A_144 = arith.constant 0 : i32
        %dma_start3A_145 = arith.constant 0 : i32
        %dma_start3A_146 = tpu.memref_slice %arg12[%dma_start3A_144, %dma_start3A_145] : memref<10000x128xf32, #tpu.memory_space<vmem_shared>> -> memref<10000x128xf32, #tpu.memory_space<vmem_shared>>
        tpu.enqueue_indirect_dma source(%arg8 : memref<40x128xf32, #tpu.memory_space<vmem>>) target(%dma_start3A_146 : memref<10000x128xf32, #tpu.memory_space<vmem_shared>>) offsets(%dma_start3A_143 : memref<40xi32, #tpu.memory_space<vmem>>) semaphore(%run_scoped3A_140 : memref<!tpu.dma_semaphore, #tpu.memory_space<semaphore_mem>>) {add = true}
        %dma_wait3A_147 = arith.constant 0 : i32
        %dma_wait3A_148 = tpu.memref_slice %arg7[%add3A_75, %dma_wait3A_147] : memref<250x40xi32, #tpu.memory_space<vmem>> -> memref<1x40xi32, #tpu.memory_space<vmem>>
        %dma_wait3A_149 = tpu.memref_squeeze %dma_wait3A_148 : memref<1x40xi32, #tpu.memory_space<vmem>> -> memref<40xi32, #tpu.memory_space<vmem>>
        %dma_wait3A_150 = arith.constant 0 : i32
        %dma_wait3A_151 = arith.constant 0 : i32
        %dma_wait3A_152 = tpu.memref_slice %arg12[%dma_wait3A_150, %dma_wait3A_151] : memref<10000x128xf32, #tpu.memory_space<vmem_shared>> -> memref<10000x128xf32, #tpu.memory_space<vmem_shared>>
        tpu.wait_indirect_dma semaphore(%run_scoped3A_140 : memref<!tpu.dma_semaphore, #tpu.memory_space<semaphore_mem>>) src(%arg8 : memref<40x128xf32, #tpu.memory_space<vmem>>) dst(%dma_wait3A_152 : memref<10000x128xf32, #tpu.memory_space<vmem_shared>>)
        tpu.yield
      }) : () -> ()
      %add3A_82 = arith.constant 4 : i32
      %add3A_83 = arith.addi %add3A_75, %add3A_82 : i32
      %lt3A_84 = arith.constant 250 : i32
      %lt3A_85 = arith.cmpi slt, %add3A_83, %lt3A_84 : i32
      %convert_element_type3A_86 = arith.extui %lt3A_85 : i1 to i32
      %cond3A_87 = arith.constant 0 : i32
      %cond3A_88 = arith.cmpi ne, %convert_element_type3A_86, %cond3A_87 : i32
      scf.if %cond3A_88 {
        %add3A_140 = arith.constant 4 : i32
        %add3A_141 = arith.addi %add3A_75, %add3A_140 : i32
        %dma_start3A_142 = arith.constant 0 : i32
        %dma_start3A_143 = tpu.memref_slice %arg6[%add3A_141, %dma_start3A_142] : memref<250x40xi32, #tpu.memory_space<vmem>> -> memref<1x40xi32, #tpu.memory_space<vmem>>
        %dma_start3A_144 = tpu.memref_squeeze %dma_start3A_143 : memref<1x40xi32, #tpu.memory_space<vmem>> -> memref<40xi32, #tpu.memory_space<vmem>>
        %dma_start3A_145 = arith.constant 0 : i32
        %dma_start3A_146 = arith.constant 0 : i32
        %dma_start3A_147 = tpu.memref_slice %arg2[%dma_start3A_145, %dma_start3A_146] : memref<10000x128xf32, #tpu.memory_space<hbm>> -> memref<10000x128xf32, #tpu.memory_space<hbm>>
        tpu.enqueue_indirect_dma source(%dma_start3A_147 : memref<10000x128xf32, #tpu.memory_space<hbm>>) target(%arg8 : memref<40x128xf32, #tpu.memory_space<vmem>>) offsets(%dma_start3A_144 : memref<40xi32, #tpu.memory_space<vmem>>) semaphore(%arg13 : memref<!tpu.dma_semaphore, #tpu.memory_space<semaphore_mem>>)
      } else {
      }
      %mul3A_89 = arith.constant 4 : i32
      %mul3A_90 = arith.muli %scan3A_71, %mul3A_89 : i32
      %add3A_91 = arith.constant 1 : i32
      %add3A_92 = arith.addi %mul3A_90, %add3A_91 : i32
      %dma_wait3A_93 = arith.constant 0 : i32
      %dma_wait3A_94 = tpu.memref_slice %arg6[%add3A_92, %dma_wait3A_93] : memref<250x40xi32, #tpu.memory_space<vmem>> -> memref<1x40xi32, #tpu.memory_space<vmem>>
      %dma_wait3A_95 = tpu.memref_squeeze %dma_wait3A_94 : memref<1x40xi32, #tpu.memory_space<vmem>> -> memref<40xi32, #tpu.memory_space<vmem>>
      %dma_wait3A_96 = arith.constant 0 : i32
      %dma_wait3A_97 = arith.constant 0 : i32
      %dma_wait3A_98 = tpu.memref_slice %arg2[%dma_wait3A_96, %dma_wait3A_97] : memref<10000x128xf32, #tpu.memory_space<hbm>> -> memref<10000x128xf32, #tpu.memory_space<hbm>>
      tpu.wait_indirect_dma semaphore(%arg14 : memref<!tpu.dma_semaphore, #tpu.memory_space<semaphore_mem>>) src(%dma_wait3A_98 : memref<10000x128xf32, #tpu.memory_space<hbm>>) dst(%arg9 : memref<40x128xf32, #tpu.memory_space<vmem>>)
      "tpu.region"() ({
        %run_scoped3A_140 = tpu.sem_alloc : memref<!tpu.dma_semaphore, #tpu.memory_space<semaphore_mem>>
        %dma_start3A_141 = arith.constant 0 : i32
        %dma_start3A_142 = tpu.memref_slice %arg7[%add3A_92, %dma_start3A_141] : memref<250x40xi32, #tpu.memory_space<vmem>> -> memref<1x40xi32, #tpu.memory_space<vmem>>
        %dma_start3A_143 = tpu.memref_squeeze %dma_start3A_142 : memref<1x40xi32, #tpu.memory_space<vmem>> -> memref<40xi32, #tpu.memory_space<vmem>>
        %dma_start3A_144 = arith.constant 0 : i32
        %dma_start3A_145 = arith.constant 0 : i32
        %dma_start3A_146 = tpu.memref_slice %arg12[%dma_start3A_144, %dma_start3A_145] : memref<10000x128xf32, #tpu.memory_space<vmem_shared>> -> memref<10000x128xf32, #tpu.memory_space<vmem_shared>>
        tpu.enqueue_indirect_dma source(%arg9 : memref<40x128xf32, #tpu.memory_space<vmem>>) target(%dma_start3A_146 : memref<10000x128xf32, #tpu.memory_space<vmem_shared>>) offsets(%dma_start3A_143 : memref<40xi32, #tpu.memory_space<vmem>>) semaphore(%run_scoped3A_140 : memref<!tpu.dma_semaphore, #tpu.memory_space<semaphore_mem>>) {add = true}
        %dma_wait3A_147 = arith.constant 0 : i32
        %dma_wait3A_148 = tpu.memref_slice %arg7[%add3A_92, %dma_wait3A_147] : memref<250x40xi32, #tpu.memory_space<vmem>> -> memref<1x40xi32, #tpu.memory_space<vmem>>
        %dma_wait3A_149 = tpu.memref_squeeze %dma_wait3A_148 : memref<1x40xi32, #tpu.memory_space<vmem>> -> memref<40xi32, #tpu.memory_space<vmem>>
        %dma_wait3A_150 = arith.constant 0 : i32
        %dma_wait3A_151 = arith.constant 0 : i32
        %dma_wait3A_152 = tpu.memref_slice %arg12[%dma_wait3A_150, %dma_wait3A_151] : memref<10000x128xf32, #tpu.memory_space<vmem_shared>> -> memref<10000x128xf32, #tpu.memory_space<vmem_shared>>
        tpu.wait_indirect_dma semaphore(%run_scoped3A_140 : memref<!tpu.dma_semaphore, #tpu.memory_space<semaphore_mem>>) src(%arg9 : memref<40x128xf32, #tpu.memory_space<vmem>>) dst(%dma_wait3A_152 : memref<10000x128xf32, #tpu.memory_space<vmem_shared>>)
        tpu.yield
      }) : () -> ()
      %add3A_99 = arith.constant 4 : i32
      %add3A_100 = arith.addi %add3A_92, %add3A_99 : i32
      %lt3A_101 = arith.constant 250 : i32
      %lt3A_102 = arith.cmpi slt, %add3A_100, %lt3A_101 : i32
      %convert_element_type3A_103 = arith.extui %lt3A_102 : i1 to i32
      %cond3A_104 = arith.constant 0 : i32
      %cond3A_105 = arith.cmpi ne, %convert_element_type3A_103, %cond3A_104 : i32
      scf.if %cond3A_105 {
        %add3A_140 = arith.constant 4 : i32
        %add3A_141 = arith.addi %add3A_92, %add3A_140 : i32
        %dma_start3A_142 = arith.constant 0 : i32
        %dma_start3A_143 = tpu.memref_slice %arg6[%add3A_141, %dma_start3A_142] : memref<250x40xi32, #tpu.memory_space<vmem>> -> memref<1x40xi32, #tpu.memory_space<vmem>>
        %dma_start3A_144 = tpu.memref_squeeze %dma_start3A_143 : memref<1x40xi32, #tpu.memory_space<vmem>> -> memref<40xi32, #tpu.memory_space<vmem>>
        %dma_start3A_145 = arith.constant 0 : i32
        %dma_start3A_146 = arith.constant 0 : i32
        %dma_start3A_147 = tpu.memref_slice %arg2[%dma_start3A_145, %dma_start3A_146] : memref<10000x128xf32, #tpu.memory_space<hbm>> -> memref<10000x128xf32, #tpu.memory_space<hbm>>
        tpu.enqueue_indirect_dma source(%dma_start3A_147 : memref<10000x128xf32, #tpu.memory_space<hbm>>) target(%arg9 : memref<40x128xf32, #tpu.memory_space<vmem>>) offsets(%dma_start3A_144 : memref<40xi32, #tpu.memory_space<vmem>>) semaphore(%arg14 : memref<!tpu.dma_semaphore, #tpu.memory_space<semaphore_mem>>)
      } else {
      }
      %mul3A_106 = arith.constant 4 : i32
      %mul3A_107 = arith.muli %scan3A_71, %mul3A_106 : i32
      %add3A_108 = arith.constant 2 : i32
      %add3A_109 = arith.addi %mul3A_107, %add3A_108 : i32
      %dma_wait3A_110 = arith.constant 0 : i32
      %dma_wait3A_111 = tpu.memref_slice %arg6[%add3A_109, %dma_wait3A_110] : memref<250x40xi32, #tpu.memory_space<vmem>> -> memref<1x40xi32, #tpu.memory_space<vmem>>
      %dma_wait3A_112 = tpu.memref_squeeze %dma_wait3A_111 : memref<1x40xi32, #tpu.memory_space<vmem>> -> memref<40xi32, #tpu.memory_space<vmem>>
      %dma_wait3A_113 = arith.constant 0 : i32
      %dma_wait3A_114 = arith.constant 0 : i32
      %dma_wait3A_115 = tpu.memref_slice %arg2[%dma_wait3A_113, %dma_wait3A_114] : memref<10000x128xf32, #tpu.memory_space<hbm>> -> memref<10000x128xf32, #tpu.memory_space<hbm>>
      tpu.wait_indirect_dma semaphore(%arg15 : memref<!tpu.dma_semaphore, #tpu.memory_space<semaphore_mem>>) src(%dma_wait3A_115 : memref<10000x128xf32, #tpu.memory_space<hbm>>) dst(%arg10 : memref<40x128xf32, #tpu.memory_space<vmem>>)
      "tpu.region"() ({
        %run_scoped3A_140 = tpu.sem_alloc : memref<!tpu.dma_semaphore, #tpu.memory_space<semaphore_mem>>
        %dma_start3A_141 = arith.constant 0 : i32
        %dma_start3A_142 = tpu.memref_slice %arg7[%add3A_109, %dma_start3A_141] : memref<250x40xi32, #tpu.memory_space<vmem>> -> memref<1x40xi32, #tpu.memory_space<vmem>>
        %dma_start3A_143 = tpu.memref_squeeze %dma_start3A_142 : memref<1x40xi32, #tpu.memory_space<vmem>> -> memref<40xi32, #tpu.memory_space<vmem>>
        %dma_start3A_144 = arith.constant 0 : i32
        %dma_start3A_145 = arith.constant 0 : i32
        %dma_start3A_146 = tpu.memref_slice %arg12[%dma_start3A_144, %dma_start3A_145] : memref<10000x128xf32, #tpu.memory_space<vmem_shared>> -> memref<10000x128xf32, #tpu.memory_space<vmem_shared>>
        tpu.enqueue_indirect_dma source(%arg10 : memref<40x128xf32, #tpu.memory_space<vmem>>) target(%dma_start3A_146 : memref<10000x128xf32, #tpu.memory_space<vmem_shared>>) offsets(%dma_start3A_143 : memref<40xi32, #tpu.memory_space<vmem>>) semaphore(%run_scoped3A_140 : memref<!tpu.dma_semaphore, #tpu.memory_space<semaphore_mem>>) {add = true}
        %dma_wait3A_147 = arith.constant 0 : i32
        %dma_wait3A_148 = tpu.memref_slice %arg7[%add3A_109, %dma_wait3A_147] : memref<250x40xi32, #tpu.memory_space<vmem>> -> memref<1x40xi32, #tpu.memory_space<vmem>>
        %dma_wait3A_149 = tpu.memref_squeeze %dma_wait3A_148 : memref<1x40xi32, #tpu.memory_space<vmem>> -> memref<40xi32, #tpu.memory_space<vmem>>
        %dma_wait3A_150 = arith.constant 0 : i32
        %dma_wait3A_151 = arith.constant 0 : i32
        %dma_wait3A_152 = tpu.memref_slice %arg12[%dma_wait3A_150, %dma_wait3A_151] : memref<10000x128xf32, #tpu.memory_space<vmem_shared>> -> memref<10000x128xf32, #tpu.memory_space<vmem_shared>>
        tpu.wait_indirect_dma semaphore(%run_scoped3A_140 : memref<!tpu.dma_semaphore, #tpu.memory_space<semaphore_mem>>) src(%arg10 : memref<40x128xf32, #tpu.memory_space<vmem>>) dst(%dma_wait3A_152 : memref<10000x128xf32, #tpu.memory_space<vmem_shared>>)
        tpu.yield
      }) : () -> ()
      %add3A_116 = arith.constant 4 : i32
      %add3A_117 = arith.addi %add3A_109, %add3A_116 : i32
      %lt3A_118 = arith.constant 250 : i32
      %lt3A_119 = arith.cmpi slt, %add3A_117, %lt3A_118 : i32
      %convert_element_type3A_120 = arith.extui %lt3A_119 : i1 to i32
      %cond3A_121 = arith.constant 0 : i32
      %cond3A_122 = arith.cmpi ne, %convert_element_type3A_120, %cond3A_121 : i32
      scf.if %cond3A_122 {
        %add3A_140 = arith.constant 4 : i32
        %add3A_141 = arith.addi %add3A_109, %add3A_140 : i32
        %dma_start3A_142 = arith.constant 0 : i32
        %dma_start3A_143 = tpu.memref_slice %arg6[%add3A_141, %dma_start3A_142] : memref<250x40xi32, #tpu.memory_space<vmem>> -> memref<1x40xi32, #tpu.memory_space<vmem>>
        %dma_start3A_144 = tpu.memref_squeeze %dma_start3A_143 : memref<1x40xi32, #tpu.memory_space<vmem>> -> memref<40xi32, #tpu.memory_space<vmem>>
        %dma_start3A_145 = arith.constant 0 : i32
        %dma_start3A_146 = arith.constant 0 : i32
        %dma_start3A_147 = tpu.memref_slice %arg2[%dma_start3A_145, %dma_start3A_146] : memref<10000x128xf32, #tpu.memory_space<hbm>> -> memref<10000x128xf32, #tpu.memory_space<hbm>>
        tpu.enqueue_indirect_dma source(%dma_start3A_147 : memref<10000x128xf32, #tpu.memory_space<hbm>>) target(%arg10 : memref<40x128xf32, #tpu.memory_space<vmem>>) offsets(%dma_start3A_144 : memref<40xi32, #tpu.memory_space<vmem>>) semaphore(%arg15 : memref<!tpu.dma_semaphore, #tpu.memory_space<semaphore_mem>>)
      } else {
      }
      %mul3A_123 = arith.constant 4 : i32
      %mul3A_124 = arith.muli %scan3A_71, %mul3A_123 : i32
      %add3A_125 = arith.constant 3 : i32
      %add3A_126 = arith.addi %mul3A_124, %add3A_125 : i32
      %dma_wait3A_127 = arith.constant 0 : i32
      %dma_wait3A_128 = tpu.memref_slice %arg6[%add3A_126, %dma_wait3A_127] : memref<250x40xi32, #tpu.memory_space<vmem>> -> memref<1x40xi32, #tpu.memory_space<vmem>>
      %dma_wait3A_129 = tpu.memref_squeeze %dma_wait3A_128 : memref<1x40xi32, #tpu.memory_space<vmem>> -> memref<40xi32, #tpu.memory_space<vmem>>
      %dma_wait3A_130 = arith.constant 0 : i32
      %dma_wait3A_131 = arith.constant 0 : i32
      %dma_wait3A_132 = tpu.memref_slice %arg2[%dma_wait3A_130, %dma_wait3A_131] : memref<10000x128xf32, #tpu.memory_space<hbm>> -> memref<10000x128xf32, #tpu.memory_space<hbm>>
      tpu.wait_indirect_dma semaphore(%arg16 : memref<!tpu.dma_semaphore, #tpu.memory_space<semaphore_mem>>) src(%dma_wait3A_132 : memref<10000x128xf32, #tpu.memory_space<hbm>>) dst(%arg11 : memref<40x128xf32, #tpu.memory_space<vmem>>)
      "tpu.region"() ({
        %run_scoped3A_140 = tpu.sem_alloc : memref<!tpu.dma_semaphore, #tpu.memory_space<semaphore_mem>>
        %dma_start3A_141 = arith.constant 0 : i32
        %dma_start3A_142 = tpu.memref_slice %arg7[%add3A_126, %dma_start3A_141] : memref<250x40xi32, #tpu.memory_space<vmem>> -> memref<1x40xi32, #tpu.memory_space<vmem>>
        %dma_start3A_143 = tpu.memref_squeeze %dma_start3A_142 : memref<1x40xi32, #tpu.memory_space<vmem>> -> memref<40xi32, #tpu.memory_space<vmem>>
        %dma_start3A_144 = arith.constant 0 : i32
        %dma_start3A_145 = arith.constant 0 : i32
        %dma_start3A_146 = tpu.memref_slice %arg12[%dma_start3A_144, %dma_start3A_145] : memref<10000x128xf32, #tpu.memory_space<vmem_shared>> -> memref<10000x128xf32, #tpu.memory_space<vmem_shared>>
        tpu.enqueue_indirect_dma source(%arg11 : memref<40x128xf32, #tpu.memory_space<vmem>>) target(%dma_start3A_146 : memref<10000x128xf32, #tpu.memory_space<vmem_shared>>) offsets(%dma_start3A_143 : memref<40xi32, #tpu.memory_space<vmem>>) semaphore(%run_scoped3A_140 : memref<!tpu.dma_semaphore, #tpu.memory_space<semaphore_mem>>) {add = true}
        %dma_wait3A_147 = arith.constant 0 : i32
        %dma_wait3A_148 = tpu.memref_slice %arg7[%add3A_126, %dma_wait3A_147] : memref<250x40xi32, #tpu.memory_space<vmem>> -> memref<1x40xi32, #tpu.memory_space<vmem>>
        %dma_wait3A_149 = tpu.memref_squeeze %dma_wait3A_148 : memref<1x40xi32, #tpu.memory_space<vmem>> -> memref<40xi32, #tpu.memory_space<vmem>>
        %dma_wait3A_150 = arith.constant 0 : i32
        %dma_wait3A_151 = arith.constant 0 : i32
        %dma_wait3A_152 = tpu.memref_slice %arg12[%dma_wait3A_150, %dma_wait3A_151] : memref<10000x128xf32, #tpu.memory_space<vmem_shared>> -> memref<10000x128xf32, #tpu.memory_space<vmem_shared>>
        tpu.wait_indirect_dma semaphore(%run_scoped3A_140 : memref<!tpu.dma_semaphore, #tpu.memory_space<semaphore_mem>>) src(%arg11 : memref<40x128xf32, #tpu.memory_space<vmem>>) dst(%dma_wait3A_152 : memref<10000x128xf32, #tpu.memory_space<vmem_shared>>)
        tpu.yield
      }) : () -> ()
      %add3A_133 = arith.constant 4 : i32
      %add3A_134 = arith.addi %add3A_126, %add3A_133 : i32
      %lt3A_135 = arith.constant 250 : i32
      %lt3A_136 = arith.cmpi slt, %add3A_134, %lt3A_135 : i32
      %convert_element_type3A_137 = arith.extui %lt3A_136 : i1 to i32
      %cond3A_138 = arith.constant 0 : i32
      %cond3A_139 = arith.cmpi ne, %convert_element_type3A_137, %cond3A_138 : i32
      scf.if %cond3A_139 {
        %add3A_140 = arith.constant 4 : i32
        %add3A_141 = arith.addi %add3A_126, %add3A_140 : i32
        %dma_start3A_142 = arith.constant 0 : i32
        %dma_start3A_143 = tpu.memref_slice %arg6[%add3A_141, %dma_start3A_142] : memref<250x40xi32, #tpu.memory_space<vmem>> -> memref<1x40xi32, #tpu.memory_space<vmem>>
        %dma_start3A_144 = tpu.memref_squeeze %dma_start3A_143 : memref<1x40xi32, #tpu.memory_space<vmem>> -> memref<40xi32, #tpu.memory_space<vmem>>
        %dma_start3A_145 = arith.constant 0 : i32
        %dma_start3A_146 = arith.constant 0 : i32
        %dma_start3A_147 = tpu.memref_slice %arg2[%dma_start3A_145, %dma_start3A_146] : memref<10000x128xf32, #tpu.memory_space<hbm>> -> memref<10000x128xf32, #tpu.memory_space<hbm>>
        tpu.enqueue_indirect_dma source(%dma_start3A_147 : memref<10000x128xf32, #tpu.memory_space<hbm>>) target(%arg11 : memref<40x128xf32, #tpu.memory_space<vmem>>) offsets(%dma_start3A_144 : memref<40xi32, #tpu.memory_space<vmem>>) semaphore(%arg16 : memref<!tpu.dma_semaphore, #tpu.memory_space<semaphore_mem>>)
      } else {
      }
    }
    %scan3A_45 = arith.constant 62 : i32
    %dma_wait3A = arith.constant 248 : i32
    %dma_wait3A_46 = arith.constant 0 : i32
    %dma_wait3A_47 = tpu.memref_slice %arg6[%dma_wait3A, %dma_wait3A_46] : memref<250x40xi32, #tpu.memory_space<vmem>> -> memref<1x40xi32, #tpu.memory_space<vmem>>
    %dma_wait3A_48 = tpu.memref_squeeze %dma_wait3A_47 : memref<1x40xi32, #tpu.memory_space<vmem>> -> memref<40xi32, #tpu.memory_space<vmem>>
    %dma_wait3A_49 = arith.constant 0 : i32
    %dma_wait3A_50 = arith.constant 0 : i32
    %dma_wait3A_51 = tpu.memref_slice %arg2[%dma_wait3A_49, %dma_wait3A_50] : memref<10000x128xf32, #tpu.memory_space<hbm>> -> memref<10000x128xf32, #tpu.memory_space<hbm>>
    tpu.wait_indirect_dma semaphore(%arg13 : memref<!tpu.dma_semaphore, #tpu.memory_space<semaphore_mem>>) src(%dma_wait3A_51 : memref<10000x128xf32, #tpu.memory_space<hbm>>) dst(%arg8 : memref<40x128xf32, #tpu.memory_space<vmem>>)
    %run_scoped3A = arith.constant 248 : i32
    "tpu.region"() ({
      %run_scoped3A_71 = tpu.sem_alloc : memref<!tpu.dma_semaphore, #tpu.memory_space<semaphore_mem>>
      %dma_start3A_72 = arith.constant 0 : i32
      %dma_start3A_73 = tpu.memref_slice %arg7[%run_scoped3A, %dma_start3A_72] : memref<250x40xi32, #tpu.memory_space<vmem>> -> memref<1x40xi32, #tpu.memory_space<vmem>>
      %dma_start3A_74 = tpu.memref_squeeze %dma_start3A_73 : memref<1x40xi32, #tpu.memory_space<vmem>> -> memref<40xi32, #tpu.memory_space<vmem>>
      %dma_start3A_75 = arith.constant 0 : i32
      %dma_start3A_76 = arith.constant 0 : i32
      %dma_start3A_77 = tpu.memref_slice %arg12[%dma_start3A_75, %dma_start3A_76] : memref<10000x128xf32, #tpu.memory_space<vmem_shared>> -> memref<10000x128xf32, #tpu.memory_space<vmem_shared>>
      tpu.enqueue_indirect_dma source(%arg8 : memref<40x128xf32, #tpu.memory_space<vmem>>) target(%dma_start3A_77 : memref<10000x128xf32, #tpu.memory_space<vmem_shared>>) offsets(%dma_start3A_74 : memref<40xi32, #tpu.memory_space<vmem>>) semaphore(%run_scoped3A_71 : memref<!tpu.dma_semaphore, #tpu.memory_space<semaphore_mem>>) {add = true}
      %dma_wait3A_78 = arith.constant 0 : i32
      %dma_wait3A_79 = tpu.memref_slice %arg7[%run_scoped3A, %dma_wait3A_78] : memref<250x40xi32, #tpu.memory_space<vmem>> -> memref<1x40xi32, #tpu.memory_space<vmem>>
      %dma_wait3A_80 = tpu.memref_squeeze %dma_wait3A_79 : memref<1x40xi32, #tpu.memory_space<vmem>> -> memref<40xi32, #tpu.memory_space<vmem>>
      %dma_wait3A_81 = arith.constant 0 : i32
      %dma_wait3A_82 = arith.constant 0 : i32
      %dma_wait3A_83 = tpu.memref_slice %arg12[%dma_wait3A_81, %dma_wait3A_82] : memref<10000x128xf32, #tpu.memory_space<vmem_shared>> -> memref<10000x128xf32, #tpu.memory_space<vmem_shared>>
      tpu.wait_indirect_dma semaphore(%run_scoped3A_71 : memref<!tpu.dma_semaphore, #tpu.memory_space<semaphore_mem>>) src(%arg8 : memref<40x128xf32, #tpu.memory_space<vmem>>) dst(%dma_wait3A_83 : memref<10000x128xf32, #tpu.memory_space<vmem_shared>>)
      tpu.yield
    }) : () -> ()
    %dma_wait3A_52 = arith.constant 249 : i32
    %dma_wait3A_53 = arith.constant 0 : i32
    %dma_wait3A_54 = tpu.memref_slice %arg6[%dma_wait3A_52, %dma_wait3A_53] : memref<250x40xi32, #tpu.memory_space<vmem>> -> memref<1x40xi32, #tpu.memory_space<vmem>>
    %dma_wait3A_55 = tpu.memref_squeeze %dma_wait3A_54 : memref<1x40xi32, #tpu.memory_space<vmem>> -> memref<40xi32, #tpu.memory_space<vmem>>
    %dma_wait3A_56 = arith.constant 0 : i32
    %dma_wait3A_57 = arith.constant 0 : i32
    %dma_wait3A_58 = tpu.memref_slice %arg2[%dma_wait3A_56, %dma_wait3A_57] : memref<10000x128xf32, #tpu.memory_space<hbm>> -> memref<10000x128xf32, #tpu.memory_space<hbm>>
    tpu.wait_indirect_dma semaphore(%arg14 : memref<!tpu.dma_semaphore, #tpu.memory_space<semaphore_mem>>) src(%dma_wait3A_58 : memref<10000x128xf32, #tpu.memory_space<hbm>>) dst(%arg9 : memref<40x128xf32, #tpu.memory_space<vmem>>)
    %run_scoped3A_59 = arith.constant 249 : i32
    "tpu.region"() ({
      %run_scoped3A_71 = tpu.sem_alloc : memref<!tpu.dma_semaphore, #tpu.memory_space<semaphore_mem>>
      %dma_start3A_72 = arith.constant 0 : i32
      %dma_start3A_73 = tpu.memref_slice %arg7[%run_scoped3A_59, %dma_start3A_72] : memref<250x40xi32, #tpu.memory_space<vmem>> -> memref<1x40xi32, #tpu.memory_space<vmem>>
      %dma_start3A_74 = tpu.memref_squeeze %dma_start3A_73 : memref<1x40xi32, #tpu.memory_space<vmem>> -> memref<40xi32, #tpu.memory_space<vmem>>
      %dma_start3A_75 = arith.constant 0 : i32
      %dma_start3A_76 = arith.constant 0 : i32
      %dma_start3A_77 = tpu.memref_slice %arg12[%dma_start3A_75, %dma_start3A_76] : memref<10000x128xf32, #tpu.memory_space<vmem_shared>> -> memref<10000x128xf32, #tpu.memory_space<vmem_shared>>
      tpu.enqueue_indirect_dma source(%arg9 : memref<40x128xf32, #tpu.memory_space<vmem>>) target(%dma_start3A_77 : memref<10000x128xf32, #tpu.memory_space<vmem_shared>>) offsets(%dma_start3A_74 : memref<40xi32, #tpu.memory_space<vmem>>) semaphore(%run_scoped3A_71 : memref<!tpu.dma_semaphore, #tpu.memory_space<semaphore_mem>>) {add = true}
      %dma_wait3A_78 = arith.constant 0 : i32
      %dma_wait3A_79 = tpu.memref_slice %arg7[%run_scoped3A_59, %dma_wait3A_78] : memref<250x40xi32, #tpu.memory_space<vmem>> -> memref<1x40xi32, #tpu.memory_space<vmem>>
      %dma_wait3A_80 = tpu.memref_squeeze %dma_wait3A_79 : memref<1x40xi32, #tpu.memory_space<vmem>> -> memref<40xi32, #tpu.memory_space<vmem>>
      %dma_wait3A_81 = arith.constant 0 : i32
      %dma_wait3A_82 = arith.constant 0 : i32
      %dma_wait3A_83 = tpu.memref_slice %arg12[%dma_wait3A_81, %dma_wait3A_82] : memref<10000x128xf32, #tpu.memory_space<vmem_shared>> -> memref<10000x128xf32, #tpu.memory_space<vmem_shared>>
      tpu.wait_indirect_dma semaphore(%run_scoped3A_71 : memref<!tpu.dma_semaphore, #tpu.memory_space<semaphore_mem>>) src(%arg9 : memref<40x128xf32, #tpu.memory_space<vmem>>) dst(%dma_wait3A_83 : memref<10000x128xf32, #tpu.memory_space<vmem_shared>>)
      tpu.yield
    }) : () -> ()
    %barrier3A_60 = arith.constant 0 : index
    tpu.barrier barrier_id(%barrier3A_60)
    %lt3A_61 = arith.constant 15 : i32
    %lt3A_62 = arith.cmpi slt, %arg1, %lt3A_61 : i32
    %convert_element_type3A_63 = arith.extui %lt3A_62 : i1 to i32
    %cond3A_64 = arith.constant 0 : i32
    %cond3A_65 = arith.cmpi ne, %convert_element_type3A_63, %cond3A_64 : i32
    scf.if %cond3A_65 {
      %mul3A_71 = arith.constant 640 : i32
      %mul3A_72 = arith.muli %arg1, %mul3A_71 : i32
      %mul3A_73 = arith.constant 640 : i32
      %mul3A_74 = arith.muli %arg1, %mul3A_73 : i32
      "tpu.region"() ({
        %run_scoped3A_75 = tpu.sem_alloc : memref<!tpu.dma_semaphore, #tpu.memory_space<semaphore_mem>>
        %dma_start3A_76 = arith.constant 0 : i32
        %dma_start3A_77 = tpu.memref_slice %arg5[%arg0, %mul3A_74, %dma_start3A_76] : memref<2x10000x128xf32, #tpu.memory_space<hbm>> -> memref<1x640x128xf32, #tpu.memory_space<hbm>>
        %dma_start3A_78 = tpu.memref_squeeze %dma_start3A_77 : memref<1x640x128xf32, #tpu.memory_space<hbm>> -> memref<640x128xf32, #tpu.memory_space<hbm>>
        %dma_start3A_79 = arith.constant 0 : i32
        %dma_start3A_80 = tpu.memref_slice %arg12[%mul3A_72, %dma_start3A_79] : memref<10000x128xf32, #tpu.memory_space<vmem_shared>> -> memref<640x128xf32, #tpu.memory_space<vmem_shared>>
        tpu.enqueue_dma source(%dma_start3A_80 : memref<640x128xf32, #tpu.memory_space<vmem_shared>>) target(%dma_start3A_78 : memref<640x128xf32, #tpu.memory_space<hbm>>) target_semaphore(%run_scoped3A_75 : memref<!tpu.dma_semaphore, #tpu.memory_space<semaphore_mem>>)
        %dma_wait3A_81 = arith.constant 0 : i32
        %dma_wait3A_82 = tpu.memref_slice %arg5[%arg0, %mul3A_74, %dma_wait3A_81] : memref<2x10000x128xf32, #tpu.memory_space<hbm>> -> memref<1x640x128xf32, #tpu.memory_space<hbm>>
        %dma_wait3A_83 = tpu.memref_squeeze %dma_wait3A_82 : memref<1x640x128xf32, #tpu.memory_space<hbm>> -> memref<640x128xf32, #tpu.memory_space<hbm>>
        %dma_wait3A_84 = arith.constant 0 : i32
        %dma_wait3A_85 = tpu.memref_slice %arg12[%mul3A_72, %dma_wait3A_84] : memref<10000x128xf32, #tpu.memory_space<vmem_shared>> -> memref<640x128xf32, #tpu.memory_space<vmem_shared>>
        tpu.wait_dma2 semaphore(%run_scoped3A_75 : memref<!tpu.dma_semaphore, #tpu.memory_space<semaphore_mem>>) src(%dma_wait3A_85 : memref<640x128xf32, #tpu.memory_space<vmem_shared>>) dst(%dma_wait3A_83 : memref<640x128xf32, #tpu.memory_space<hbm>>)
        tpu.yield
      }) : () -> ()
    } else {
    }
    %eq3A_66 = arith.constant 15 : i32
    %eq3A_67 = arith.cmpi eq, %arg1, %eq3A_66 : i32
    %convert_element_type3A_68 = arith.extui %eq3A_67 : i1 to i32
    %cond3A_69 = arith.constant 0 : i32
    %cond3A_70 = arith.cmpi ne, %convert_element_type3A_68, %cond3A_69 : i32
    scf.if %cond3A_70 {
      "tpu.region"() ({
        %run_scoped3A_71 = tpu.sem_alloc : memref<!tpu.dma_semaphore, #tpu.memory_space<semaphore_mem>>
        %dma_start3A_72 = arith.constant 9600 : i32
        %dma_start3A_73 = arith.constant 0 : i32
        %dma_start3A_74 = tpu.memref_slice %arg5[%arg0, %dma_start3A_72, %dma_start3A_73] : memref<2x10000x128xf32, #tpu.memory_space<hbm>> -> memref<1x400x128xf32, #tpu.memory_space<hbm>>
        %dma_start3A_75 = tpu.memref_squeeze %dma_start3A_74 : memref<1x400x128xf32, #tpu.memory_space<hbm>> -> memref<400x128xf32, #tpu.memory_space<hbm>>
        %dma_start3A_76 = arith.constant 9600 : i32
        %dma_start3A_77 = arith.constant 0 : i32
        %dma_start3A_78 = tpu.memref_slice %arg12[%dma_start3A_76, %dma_start3A_77] : memref<10000x128xf32, #tpu.memory_space<vmem_shared>> -> memref<400x128xf32, #tpu.memory_space<vmem_shared>>
        tpu.enqueue_dma source(%dma_start3A_78 : memref<400x128xf32, #tpu.memory_space<vmem_shared>>) target(%dma_start3A_75 : memref<400x128xf32, #tpu.memory_space<hbm>>) target_semaphore(%run_scoped3A_71 : memref<!tpu.dma_semaphore, #tpu.memory_space<semaphore_mem>>)
        %dma_wait3A_79 = arith.constant 9600 : i32
        %dma_wait3A_80 = arith.constant 0 : i32
        %dma_wait3A_81 = tpu.memref_slice %arg5[%arg0, %dma_wait3A_79, %dma_wait3A_80] : memref<2x10000x128xf32, #tpu.memory_space<hbm>> -> memref<1x400x128xf32, #tpu.memory_space<hbm>>
        %dma_wait3A_82 = tpu.memref_squeeze %dma_wait3A_81 : memref<1x400x128xf32, #tpu.memory_space<hbm>> -> memref<400x128xf32, #tpu.memory_space<hbm>>
        %dma_wait3A_83 = arith.constant 9600 : i32
        %dma_wait3A_84 = arith.constant 0 : i32
        %dma_wait3A_85 = tpu.memref_slice %arg12[%dma_wait3A_83, %dma_wait3A_84] : memref<10000x128xf32, #tpu.memory_space<vmem_shared>> -> memref<400x128xf32, #tpu.memory_space<vmem_shared>>
        tpu.wait_dma2 semaphore(%run_scoped3A_71 : memref<!tpu.dma_semaphore, #tpu.memory_space<semaphore_mem>>) src(%dma_wait3A_85 : memref<400x128xf32, #tpu.memory_space<vmem_shared>>) dst(%dma_wait3A_82 : memref<400x128xf32, #tpu.memory_space<hbm>>)
        tpu.yield
      }) : () -> ()
    } else {
    }
    return
  }
}

module attributes {stable_mosaic.version = 14 : i64} {
  func.func @_tc_pre_body(%arg0: i32, %arg1: memref<1000x128xf32, #tpu.memory_space<vmem>>, %arg2: memref<128x128xf32, #tpu.memory_space<vmem>>, %arg3: memref<128x128xf32, #tpu.memory_space<vmem>>, %arg4: memref<1x128xf32, #tpu.memory_space<vmem>>, %arg5: memref<1000x136xf32, #tpu.memory_space<vmem>>, %arg6: memref<1000x128xf32, #tpu.memory_space<vmem>>) attributes {dimension_semantics = [#tpu.dimension_semantics<arbitrary>], iteration_bounds = array<i64: 10>, scalar_prefetch = 0 : i64, scratch_operands = 0 : i64, tpu.core_type = #tpu.core_type<tc>, window_params = [{transform_indices = @transform_0, window_bounds = array<i64: 1000, 128>}, {pipeline_mode = #tpu.pipeline_mode<synchronous>, transform_indices = @transform_1, window_bounds = array<i64: 128, 128>}, {pipeline_mode = #tpu.pipeline_mode<synchronous>, transform_indices = @transform_2, window_bounds = array<i64: 128, 128>}, {pipeline_mode = #tpu.pipeline_mode<synchronous>, transform_indices = @transform_3, window_bounds = array<i64: 1, 128>}, {transform_indices = @transform_4, window_bounds = array<i64: 1000, 136>}, {transform_indices = @transform_5, window_bounds = array<i64: 1000, 128>}]} {
    %get3A = arith.constant 0 : index
    %get3A_0 = arith.constant 0 : index
    %get3A_1 = vector.load %arg1[%get3A, %get3A_0] : memref<1000x128xf32, #tpu.memory_space<vmem>>, vector<1000x128xf32>
    %get3A_2 = arith.constant 0 : index
    %get3A_3 = arith.constant 0 : index
    %get3A_4 = vector.load %arg2[%get3A_2, %get3A_3] : memref<128x128xf32, #tpu.memory_space<vmem>>, vector<128x128xf32>
    %dot_general3A = arith.constant dense<0.000000e+00> : vector<1000x128xf32>
    %dot_general3A_5 = tpu.matmul %get3A_1, %get3A_4, %dot_general3A {dimension_numbers = #tpu.dot_dimension_numbers<[1], [0], [0], [1], [0, 0, 1, 1], [], []>, transpose_lhs_hint = false} : vector<1000x128xf32>, vector<128x128xf32>, vector<1000x128xf32> -> vector<1000x128xf32>
    %broadcast_in_dim3A = arith.constant 1.000000e+00 : f32
    %broadcast_in_dim3A_6 = vector.broadcast %broadcast_in_dim3A : f32 to vector<1000x1xf32>
    %broadcast_in_dim3A_7 = arith.constant 0.000000e+00 : f32
    %broadcast_in_dim3A_8 = vector.broadcast %broadcast_in_dim3A_7 : f32 to vector<1000x7xf32>
    %concatenate3A = tpu.concatenate %dot_general3A_5, %broadcast_in_dim3A_6, %broadcast_in_dim3A_8 in 1 : vector<1000x128xf32>, vector<1000x1xf32>, vector<1000x7xf32> -> vector<1000x136xf32>
    %swap3A = arith.constant 0 : index
    %swap3A_9 = arith.constant 0 : index
    %swap3A_10 = vector.load %arg5[%swap3A, %swap3A_9] : memref<1000x136xf32, #tpu.memory_space<vmem>>, vector<1000x136xf32>
    tpu.vector_store %arg5[%swap3A, %swap3A_9], %concatenate3A {strides = array<i32>} : memref<1000x136xf32, #tpu.memory_space<vmem>>, vector<1000x136xf32>,
    %get3A_11 = arith.constant 0 : index
    %get3A_12 = arith.constant 0 : index
    %get3A_13 = vector.load %arg3[%get3A_11, %get3A_12] : memref<128x128xf32, #tpu.memory_space<vmem>>, vector<128x128xf32>
    %dot_general3A_14 = arith.constant dense<0.000000e+00> : vector<1000x128xf32>
    %dot_general3A_15 = tpu.matmul %get3A_1, %get3A_13, %dot_general3A_14 {dimension_numbers = #tpu.dot_dimension_numbers<[1], [0], [0], [1], [0, 0, 1, 1], [], []>, transpose_lhs_hint = false} : vector<1000x128xf32>, vector<128x128xf32>, vector<1000x128xf32> -> vector<1000x128xf32>
    %get3A_16 = arith.constant 0 : index
    %get3A_17 = arith.constant 0 : index
    %get3A_18 = vector.load %arg4[%get3A_16, %get3A_17] : memref<1x128xf32, #tpu.memory_space<vmem>>, vector<1x128xf32>
    %add3A = vector.broadcast %get3A_18 : vector<1x128xf32> to vector<1000x128xf32>
    %add3A_19 = arith.addf %dot_general3A_15, %add3A : vector<1000x128xf32>
    %swap3A_20 = arith.constant 0 : index
    %swap3A_21 = arith.constant 0 : index
    %swap3A_22 = vector.load %arg6[%swap3A_20, %swap3A_21] : memref<1000x128xf32, #tpu.memory_space<vmem>>, vector<1000x128xf32>
    tpu.vector_store %arg6[%swap3A_20, %swap3A_21], %add3A_19 {strides = array<i32>} : memref<1000x128xf32, #tpu.memory_space<vmem>>, vector<1000x128xf32>,
    return
  }
  func.func @transform_0(%arg0: i32) -> (i32, i32) {
    %c0_i32 = arith.constant 0 : i32
    %c0_i32_0 = arith.constant 0 : i32
    return %arg0, %c0_i32 : i32, i32
  }
  func.func @transform_1(%arg0: i32) -> (i32, i32) {
    %c0_i32 = arith.constant 0 : i32
    %c0_i32_0 = arith.constant 0 : i32
    %c0_i32_1 = arith.constant 0 : i32
    return %c0_i32, %c0_i32_0 : i32, i32
  }
  func.func @transform_2(%arg0: i32) -> (i32, i32) {
    %c0_i32 = arith.constant 0 : i32
    %c0_i32_0 = arith.constant 0 : i32
    %c0_i32_1 = arith.constant 0 : i32
    return %c0_i32, %c0_i32_0 : i32, i32
  }
  func.func @transform_3(%arg0: i32) -> (i32, i32) {
    %c0_i32 = arith.constant 0 : i32
    %c0_i32_0 = arith.constant 0 : i32
    %c0_i32_1 = arith.constant 0 : i32
    return %c0_i32, %c0_i32_0 : i32, i32
  }
  func.func @transform_4(%arg0: i32) -> (i32, i32) {
    %c0_i32 = arith.constant 0 : i32
    %c0_i32_0 = arith.constant 0 : i32
    return %arg0, %c0_i32 : i32, i32
  }
  func.func @transform_5(%arg0: i32) -> (i32, i32) {
    %c0_i32 = arith.constant 0 : i32
    %c0_i32_0 = arith.constant 0 : i32
    return %arg0, %c0_i32 : i32, i32
  }
}

module attributes {stable_mosaic.version = 14 : i64} {
  func.func @_tc_mid_body(%arg0: i32, %arg1: memref<2x1000x136xf32, #tpu.memory_space<vmem>>, %arg2: memref<1000x128xf32, #tpu.memory_space<vmem>>, %arg3: memref<128x128xf32, #tpu.memory_space<vmem>>, %arg4: memref<128x128xf32, #tpu.memory_space<vmem>>, %arg5: memref<1x128xf32, #tpu.memory_space<vmem>>, %arg6: memref<1000x128xf32, #tpu.memory_space<vmem>>, %arg7: memref<1000x128xf32, #tpu.memory_space<vmem>>, %arg8: memref<1000x8xf32, #tpu.memory_space<vmem>>) attributes {dimension_semantics = [#tpu.dimension_semantics<arbitrary>], iteration_bounds = array<i64: 10>, scalar_prefetch = 0 : i64, scratch_operands = 0 : i64, tpu.core_type = #tpu.core_type<tc>, window_params = [{transform_indices = @transform_0, window_bounds = array<i64: 2, 1000, 136>}, {transform_indices = @transform_1, window_bounds = array<i64: 1000, 128>}, {pipeline_mode = #tpu.pipeline_mode<synchronous>, transform_indices = @transform_2, window_bounds = array<i64: 128, 128>}, {pipeline_mode = #tpu.pipeline_mode<synchronous>, transform_indices = @transform_3, window_bounds = array<i64: 128, 128>}, {pipeline_mode = #tpu.pipeline_mode<synchronous>, transform_indices = @transform_4, window_bounds = array<i64: 1, 128>}, {transform_indices = @transform_5, window_bounds = array<i64: 1000, 128>}, {transform_indices = @transform_6, window_bounds = array<i64: 1000, 128>}, {transform_indices = @transform_7, window_bounds = array<i64: 1000, 8>}]} {
    %get3A = arith.constant 0 : index
    %get3A_0 = arith.constant 0 : index
    %get3A_1 = arith.constant 0 : index
    %get3A_2 = vector.load %arg1[%get3A, %get3A_0, %get3A_1] : memref<2x1000x136xf32, #tpu.memory_space<vmem>>, vector<1x1000x136xf32>
    %get3A_3 = vector.shape_cast %get3A_2 : vector<1x1000x136xf32> to vector<1000x136xf32>
    %get3A_4 = arith.constant 1 : index
    %get3A_5 = arith.constant 0 : index
    %get3A_6 = arith.constant 0 : index
    %get3A_7 = vector.load %arg1[%get3A_4, %get3A_5, %get3A_6] : memref<2x1000x136xf32, #tpu.memory_space<vmem>>, vector<1x1000x136xf32>
    %get3A_8 = vector.shape_cast %get3A_7 : vector<1x1000x136xf32> to vector<1000x136xf32>
    %add3A = arith.addf %get3A_3, %get3A_8 : vector<1000x136xf32>
    %slice3A = vector.extract_strided_slice %add3A {offsets = [0, 128], sizes = [1000, 1], strides = [1, 1]} : vector<1000x136xf32> to vector<1000x1xf32>
    %squeeze3A = vector.shape_cast %slice3A : vector<1000x1xf32> to vector<1000xf32>
    %max3A = arith.constant 1.000000e+00 : f32
    %max3A_9 = vector.broadcast %max3A : f32 to vector<1000xf32>
    %max3A_10 = arith.maximumf %squeeze3A, %max3A_9 : vector<1000xf32>
    %div3A = arith.constant 1.000000e+00 : f32
    %div3A_11 = vector.broadcast %div3A : f32 to vector<1000xf32>
    %div3A_12 = arith.divf %div3A_11, %max3A_10 : vector<1000xf32>
    %get3A_13 = arith.constant 0 : index
    %get3A_14 = arith.constant 0 : index
    %get3A_15 = vector.load %arg2[%get3A_13, %get3A_14] : memref<1000x128xf32, #tpu.memory_space<vmem>>, vector<1000x128xf32>
    %slice3A_16 = vector.extract_strided_slice %add3A {offsets = [0, 0], sizes = [1000, 128], strides = [1, 1]} : vector<1000x136xf32> to vector<1000x128xf32>
    %broadcast_in_dim3A = vector.shape_cast %div3A_12 : vector<1000xf32> to vector<1000x1xf32>
    %mul3A = vector.broadcast %broadcast_in_dim3A : vector<1000x1xf32> to vector<1000x128xf32>
    %mul3A_17 = arith.mulf %slice3A_16, %mul3A : vector<1000x128xf32>
    %add3A_18 = arith.addf %get3A_15, %mul3A_17 : vector<1000x128xf32>
    %max3A_19 = arith.constant 0.000000e+00 : f32
    %max3A_20 = vector.broadcast %max3A_19 : f32 to vector<1000x128xf32>
    %max3A_21 = arith.maximumf %add3A_18, %max3A_20 : vector<1000x128xf32>
    %get3A_22 = arith.constant 0 : index
    %get3A_23 = arith.constant 0 : index
    %get3A_24 = vector.load %arg3[%get3A_22, %get3A_23] : memref<128x128xf32, #tpu.memory_space<vmem>>, vector<128x128xf32>
    %dot_general3A = arith.constant dense<0.000000e+00> : vector<1000x128xf32>
    %dot_general3A_25 = tpu.matmul %max3A_21, %get3A_24, %dot_general3A {dimension_numbers = #tpu.dot_dimension_numbers<[1], [0], [0], [1], [0, 0, 1, 1], [], []>, transpose_lhs_hint = false} : vector<1000x128xf32>, vector<128x128xf32>, vector<1000x128xf32> -> vector<1000x128xf32>
    %swap3A = arith.constant 0 : index
    %swap3A_26 = arith.constant 0 : index
    %swap3A_27 = vector.load %arg6[%swap3A, %swap3A_26] : memref<1000x128xf32, #tpu.memory_space<vmem>>, vector<1000x128xf32>
    tpu.vector_store %arg6[%swap3A, %swap3A_26], %dot_general3A_25 {strides = array<i32>} : memref<1000x128xf32, #tpu.memory_space<vmem>>, vector<1000x128xf32>,
    %get3A_28 = arith.constant 0 : index
    %get3A_29 = arith.constant 0 : index
    %get3A_30 = vector.load %arg4[%get3A_28, %get3A_29] : memref<128x128xf32, #tpu.memory_space<vmem>>, vector<128x128xf32>
    %dot_general3A_31 = arith.constant dense<0.000000e+00> : vector<1000x128xf32>
    %dot_general3A_32 = tpu.matmul %max3A_21, %get3A_30, %dot_general3A_31 {dimension_numbers = #tpu.dot_dimension_numbers<[1], [0], [0], [1], [0, 0, 1, 1], [], []>, transpose_lhs_hint = false} : vector<1000x128xf32>, vector<128x128xf32>, vector<1000x128xf32> -> vector<1000x128xf32>
    %get3A_33 = arith.constant 0 : index
    %get3A_34 = arith.constant 0 : index
    %get3A_35 = vector.load %arg5[%get3A_33, %get3A_34] : memref<1x128xf32, #tpu.memory_space<vmem>>, vector<1x128xf32>
    %add3A_36 = vector.broadcast %get3A_35 : vector<1x128xf32> to vector<1000x128xf32>
    %add3A_37 = arith.addf %dot_general3A_32, %add3A_36 : vector<1000x128xf32>
    %swap3A_38 = arith.constant 0 : index
    %swap3A_39 = arith.constant 0 : index
    %swap3A_40 = vector.load %arg7[%swap3A_38, %swap3A_39] : memref<1000x128xf32, #tpu.memory_space<vmem>>, vector<1000x128xf32>
    tpu.vector_store %arg7[%swap3A_38, %swap3A_39], %add3A_37 {strides = array<i32>} : memref<1000x128xf32, #tpu.memory_space<vmem>>, vector<1000x128xf32>,
    %broadcast_in_dim3A_41 = vector.shape_cast %div3A_12 : vector<1000xf32> to vector<1000x1xf32>
    %broadcast_in_dim3A_42 = vector.shape_cast %broadcast_in_dim3A_41 : vector<1000x1xf32> to vector<1000x1xf32>
    %broadcast_in_dim3A_43 = vector.broadcast %broadcast_in_dim3A_42 : vector<1000x1xf32> to vector<1000x8xf32>
    %swap3A_44 = arith.constant 0 : index
    %swap3A_45 = arith.constant 0 : index
    %swap3A_46 = vector.load %arg8[%swap3A_44, %swap3A_45] : memref<1000x8xf32, #tpu.memory_space<vmem>>, vector<1000x8xf32>
    tpu.vector_store %arg8[%swap3A_44, %swap3A_45], %broadcast_in_dim3A_43 {strides = array<i32>} : memref<1000x8xf32, #tpu.memory_space<vmem>>, vector<1000x8xf32>,
    return
  }
  func.func @transform_0(%arg0: i32) -> (i32, i32, i32) {
    %c0_i32 = arith.constant 0 : i32
    %c0_i32_0 = arith.constant 0 : i32
    %c0_i32_1 = arith.constant 0 : i32
    return %c0_i32, %arg0, %c0_i32_0 : i32, i32, i32
  }
  func.func @transform_1(%arg0: i32) -> (i32, i32) {
    %c0_i32 = arith.constant 0 : i32
    %c0_i32_0 = arith.constant 0 : i32
    return %arg0, %c0_i32 : i32, i32
  }
  func.func @transform_2(%arg0: i32) -> (i32, i32) {
    %c0_i32 = arith.constant 0 : i32
    %c0_i32_0 = arith.constant 0 : i32
    %c0_i32_1 = arith.constant 0 : i32
    return %c0_i32, %c0_i32_0 : i32, i32
  }
  func.func @transform_3(%arg0: i32) -> (i32, i32) {
    %c0_i32 = arith.constant 0 : i32
    %c0_i32_0 = arith.constant 0 : i32
    %c0_i32_1 = arith.constant 0 : i32
    return %c0_i32, %c0_i32_0 : i32, i32
  }
  func.func @transform_4(%arg0: i32) -> (i32, i32) {
    %c0_i32 = arith.constant 0 : i32
    %c0_i32_0 = arith.constant 0 : i32
    %c0_i32_1 = arith.constant 0 : i32
    return %c0_i32, %c0_i32_0 : i32, i32
  }
  func.func @transform_5(%arg0: i32) -> (i32, i32) {
    %c0_i32 = arith.constant 0 : i32
    %c0_i32_0 = arith.constant 0 : i32
    return %arg0, %c0_i32 : i32, i32
  }
  func.func @transform_6(%arg0: i32) -> (i32, i32) {
    %c0_i32 = arith.constant 0 : i32
    %c0_i32_0 = arith.constant 0 : i32
    return %arg0, %c0_i32 : i32, i32
  }
  func.func @transform_7(%arg0: i32) -> (i32, i32) {
    %c0_i32 = arith.constant 0 : i32
    %c0_i32_0 = arith.constant 0 : i32
    return %arg0, %c0_i32 : i32, i32
  }
}

module attributes {stable_mosaic.version = 14 : i64} {
  func.func @_tc_post_body(%arg0: i32, %arg1: memref<2x1000x128xf32, #tpu.memory_space<vmem>>, %arg2: memref<1000x128xf32, #tpu.memory_space<vmem>>, %arg3: memref<1000x8xf32, #tpu.memory_space<vmem>>, %arg4: memref<1000x128xf32, #tpu.memory_space<vmem>>) attributes {dimension_semantics = [#tpu.dimension_semantics<arbitrary>], iteration_bounds = array<i64: 10>, scalar_prefetch = 0 : i64, scratch_operands = 0 : i64, tpu.core_type = #tpu.core_type<tc>, window_params = [{transform_indices = @transform_0, window_bounds = array<i64: 2, 1000, 128>}, {transform_indices = @transform_1, window_bounds = array<i64: 1000, 128>}, {transform_indices = @transform_2, window_bounds = array<i64: 1000, 8>}, {transform_indices = @transform_3, window_bounds = array<i64: 1000, 128>}]} {
    %get3A = arith.constant 0 : index
    %get3A_0 = arith.constant 0 : index
    %get3A_1 = arith.constant 0 : index
    %get3A_2 = vector.load %arg1[%get3A, %get3A_0, %get3A_1] : memref<2x1000x128xf32, #tpu.memory_space<vmem>>, vector<1x1000x128xf32>
    %get3A_3 = vector.shape_cast %get3A_2 : vector<1x1000x128xf32> to vector<1000x128xf32>
    %get3A_4 = arith.constant 1 : index
    %get3A_5 = arith.constant 0 : index
    %get3A_6 = arith.constant 0 : index
    %get3A_7 = vector.load %arg1[%get3A_4, %get3A_5, %get3A_6] : memref<2x1000x128xf32, #tpu.memory_space<vmem>>, vector<1x1000x128xf32>
    %get3A_8 = vector.shape_cast %get3A_7 : vector<1x1000x128xf32> to vector<1000x128xf32>
    %add3A = arith.addf %get3A_3, %get3A_8 : vector<1000x128xf32>
    %get3A_9 = arith.constant 0 : index
    %get3A_10 = arith.constant 0 : index
    %get3A_11 = vector.load %arg3[%get3A_9, %get3A_10] : memref<1000x8xf32, #tpu.memory_space<vmem>>, vector<1000x1xf32>
    %get3A_12 = vector.shape_cast %get3A_11 : vector<1000x1xf32> to vector<1000xf32>
    %get3A_13 = arith.constant 0 : index
    %get3A_14 = arith.constant 0 : index
    %get3A_15 = vector.load %arg2[%get3A_13, %get3A_14] : memref<1000x128xf32, #tpu.memory_space<vmem>>, vector<1000x128xf32>
    %broadcast_in_dim3A = vector.shape_cast %get3A_12 : vector<1000xf32> to vector<1000x1xf32>
    %mul3A = vector.broadcast %broadcast_in_dim3A : vector<1000x1xf32> to vector<1000x128xf32>
    %mul3A_16 = arith.mulf %add3A, %mul3A : vector<1000x128xf32>
    %add3A_17 = arith.addf %get3A_15, %mul3A_16 : vector<1000x128xf32>
    %max3A = arith.constant 0.000000e+00 : f32
    %max3A_18 = vector.broadcast %max3A : f32 to vector<1000x128xf32>
    %max3A_19 = arith.maximumf %add3A_17, %max3A_18 : vector<1000x128xf32>
    %swap3A = arith.constant 0 : index
    %swap3A_20 = arith.constant 0 : index
    %swap3A_21 = vector.load %arg4[%swap3A, %swap3A_20] : memref<1000x128xf32, #tpu.memory_space<vmem>>, vector<1000x128xf32>
    tpu.vector_store %arg4[%swap3A, %swap3A_20], %max3A_19 {strides = array<i32>} : memref<1000x128xf32, #tpu.memory_space<vmem>>, vector<1000x128xf32>,
    return
  }
  func.func @transform_0(%arg0: i32) -> (i32, i32, i32) {
    %c0_i32 = arith.constant 0 : i32
    %c0_i32_0 = arith.constant 0 : i32
    %c0_i32_1 = arith.constant 0 : i32
    return %c0_i32, %arg0, %c0_i32_0 : i32, i32, i32
  }
  func.func @transform_1(%arg0: i32) -> (i32, i32) {
    %c0_i32 = arith.constant 0 : i32
    %c0_i32_0 = arith.constant 0 : i32
    return %arg0, %c0_i32 : i32, i32
  }
  func.func @transform_2(%arg0: i32) -> (i32, i32) {
    %c0_i32 = arith.constant 0 : i32
    %c0_i32_0 = arith.constant 0 : i32
    return %arg0, %c0_i32 : i32, i32
  }
  func.func @transform_3(%arg0: i32) -> (i32, i32) {
    %c0_i32 = arith.constant 0 : i32
    %c0_i32_0 = arith.constant 0 : i32
    return %arg0, %c0_i32 : i32, i32
  }
}

</mosaic_0001>

<sc_bundles>
// kernel: kernel.10.cloned.1.call-start
scs
__scs_entry_jumppad:
0x0: {  	(pc) =	sbr.rel $0x88, $3  }
0x1: {  	(tag) =	ssettag $0x0;
	lr =	simm.s32 $0x1  }
0x2: {  	[smem:$0x3F99] =	sst lr;
	_ =	strace $0xD0000000  }
0x3: {  	_ = 	snop  }
0x4: {  	_ = 	snop  }
0x5: {  	_ = 	snop  }
0x6: {  	_ = 	snop  }
0x7: {  	_ = 	snop  }
__scs_overlays_trampoline_lowered:
0x8: {  	[smem:$0x3FA8] =	sst s0  }
0x9: {  	[smem:$0x3FA9] =	sst s1  }
0xa: {  	[smem:$0x3FAA] =	sst s2  }
0xb: {  	[smem:$0x3FAB] =	sst s3  }
0xc: {  	[smem:$0x3FAC] =	sst s4  }
0xd: {  	[smem:$0x3FAD] =	sst s5  }
0xe: {  	[smem:$0x3FAE] =	sst s6  }
0xf: {  	[smem:$0x3FAF] =	sst s7  }
0x10: {  	[smem:$0x3FB0] =	sst s8  }
0x11: {  	[smem:$0x3FB1] =	sst s9;
	s0 =	simm.s32 @!p0 $0x0  }
0x12: {  	s1 =	sld [smem:$0x3F97];
	s0 =	simm.s32 @p0 $0x1  }
0x13: {  	[smem:$0x3FB2] =	sst s0;
	s0 =	simm.s32 @!p1 $0x0  }
0x14: {  	s2 =	sld [smem:$0x3F96];
	s0 =	simm.s32 @p1 $0x1  }
0x15: {  	[smem:$0x3FB3] =	sst s0;
	s0 =	simm.s32 @!p2 $0x0  }
0x16: {  	s3 =	sld [smem:$0x3FDB];
	s0 =	simm.s32 @p2 $0x1  }
0x17: {  	s4 =	simm.s32 $0x1BF5;
	[smem:$0x3FB5] =	sst s0  }
0x18: {  	s0 =	sld [smem:$0x3F98];
	_ =	swait.ge [sflag:s4], $0x0  }
0x19: {  	s7 =	sld [smem:$0x3F99]  }
0x1a: {  	s8 =	sadd.s32 $0xFFFFE003, lr  }
0x1b: {  	s9 =	sadd.s32 $0xFFFFFEF7, lr;
	s5 =	simm.s32 $0xFFFFFFFF;
	p2 =	slt.u32 s8, $0xFFFFF086  }
0x1c: {  	p1 =	slt.u32 s9, $0xF7A;
	s5 =	simm.s32 @!p2 $0x0  }
0x1d: {  	s5 =	simm.s32 @p1 $0x1;
	p0 =	seq.s32 s7, s2  }
0x1e: {  	s7 =	smul.u32 @!p0 $0xF7A, s2;
	p2 =	seq.s32 @!p0 s5, $0x0  }
0x1f: {  	s9 =	smul.u32 $0xF7A, s1;
	s8 =	simm.s32 @!p0 $0x1BF5;
	p2 =	por !p2, p0  }
0x20: {  	[sflag:s8] =	ssyncset.s32 @!p0 $0xFFFFF086;
	s6 =	sadd.s32 @!p0 s3, s7;
	s7 =	simm.s32 @!p0 $0x108  }
0x21: {  	s3 =	sadd.s32 s3, s9;
	s6 =	sadd.s32 @!p0 $0x88, s6;
	s7 =	simm.s32 @p2 $0x1082  }
0x22: {  	[simem:s7], [sflag:s8] =	dma.local @!p0 [hbm:s6], $0xF7A  }
0x23: {  	s9 =	sor.u32 $0xD0000000, s2;
	s6 =	simm.s32 $0x108;
	_ =	swait.ge @!p0 [sflag:s8], $0x0  }
0x24: {  	s3 =	sadd.s32 $0x88, s3;
	s6 =	simm.s32 @!p1 $0x1082;
	[sflag:s4] =	ssyncset.s32 $0xFFFFF086  }
0x25: {  	[simem:s6], [sflag:s4] =	dma.local [hbm:s3], $0xF7A  }
0x26: {  	[smem:$0x3F99] =	sst s1;
	(tag) =	ssettag s2;
	_ =	strace s9  }
0x27: {  	s1 =	sld [smem:$0x3FA9]  }
0x28: {  	s2 =	sld [smem:$0x3FAA]  }
0x29: {  	s4 =	sld [smem:$0x3FAC]  }
0x2a: {  	p0 =	seq.s32 s5, $0x0;
	s5 =	sld [smem:$0x3FAD]  }
0x2b: {  	s6 =	sld [smem:$0x3FAE]  }
0x2c: {  	s7 =	sld [smem:$0x3FAF]  }
0x2d: {  	s3 =	simm.s32 $0x108;
	s8 =	sld [smem:$0x3FB0]  }
0x2e: {  	s3 =	simm.s32 @!p0 $0x1082;
	s9 =	sld [smem:$0x3FB1]  }
0x2f: {  	lr =	sadd.s32 s0, s3;
	s0 =	sld [smem:$0x3FA8]  }
0x30: {  	s3 =	sld [smem:$0x3FAB]  }
0x31: {  	[smem:$0x3FB4] =	sst s10  }
0x32: {  	s10 =	sld [smem:$0x3FB2];
	_ =	sdelay $0x3  }
0x33: {  	p0 =	seq.s32 s10, $0x1;
	s10 =	sld [smem:$0x3FB4];
	_ =	sdelay $0x3  }
0x34: {  	[smem:$0x3FB4] =	sst s10  }
0x35: {  	s10 =	sld [smem:$0x3FB3];
	_ =	sdelay $0x3  }
0x36: {  	p1 =	seq.s32 s10, $0x1;
	s10 =	sld [smem:$0x3FB4];
	_ =	sdelay $0x3  }
0x37: {  	[smem:$0x3FB4] =	sst s10  }
0x38: {  	s10 =	sld [smem:$0x3FB5]  }
0x39: {  	_ = 	snop;
	(pc) =	sbr.ind lr, $3  }
0x3a: {  	_ = 	snop  }
0x3b: {  	_ = 	snop  }
0x3c: {  	p2 =	seq.s32 s10, $0x1;
	s10 =	sld [smem:$0x3FB4]  }
0x3d: {  	_ =	shalt  }
0x3e: {  	_ =	shalt  }
0x3f: {  	_ =	shalt  }
0x40: {  	_ =	shalt  }
0x41: {  	_ =	shalt  }
0x42: {  	_ =	shalt  }
0x43: {  	_ =	shalt  }
0x44: {  	_ =	shalt  }
0x45: {  	_ =	shalt  }
0x46: {  	_ =	shalt  }
0x47: {  	_ =	shalt  }
0x48: {  	_ =	shalt  }
0x49: {  	_ =	shalt  }
0x4a: {  	_ =	shalt  }
0x4b: {  	_ =	shalt  }
0x4c: {  	_ =	shalt  }
0x4d: {  	_ =	shalt  }
0x4e: {  	_ =	shalt  }
0x4f: {  	_ =	shalt  }
0x50: {  	_ =	shalt  }
0x51: {  	_ =	shalt  }
0x52: {  	_ =	shalt  }
0x53: {  	_ =	shalt  }
0x54: {  	_ =	shalt  }
0x55: {  	_ =	shalt  }
0x56: {  	_ =	shalt  }
0x57: {  	_ =	shalt  }
0x58: {  	_ =	shalt  }
0x59: {  	_ =	shalt  }
0x5a: {  	_ =	shalt  }
0x5b: {  	_ =	shalt  }
0x5c: {  	_ =	shalt  }
0x5d: {  	_ =	shalt  }
0x5e: {  	_ =	shalt  }
0x5f: {  	_ =	shalt  }
0x60: {  	_ =	shalt  }
0x61: {  	_ =	shalt  }
0x62: {  	_ =	shalt  }
0x63: {  	_ =	shalt  }
0x64: {  	_ =	shalt  }
0x65: {  	_ =	shalt  }
0x66: {  	_ =	shalt  }
0x67: {  	_ =	shalt  }
0x68: {  	_ =	shalt  }
0x69: {  	_ =	shalt  }
0x6a: {  	_ =	shalt  }
0x6b: {  	_ =	shalt  }
0x6c: {  	_ =	shalt  }
0x6d: {  	_ =	shalt  }
0x6e: {  	_ =	shalt  }
0x6f: {  	_ =	shalt  }
0x70: {  	_ =	shalt  }
0x71: {  	_ =	shalt  }
0x72: {  	_ =	shalt  }
0x73: {  	_ =	shalt  }
0x74: {  	_ =	shalt  }
0x75: {  	_ =	shalt  }
0x76: {  	_ =	shalt  }
0x77: {  	_ =	shalt  }
0x78: {  	_ =	shalt  }
0x79: {  	_ =	shalt  }
0x7a: {  	_ =	shalt  }
0x7b: {  	_ =	shalt  }
0x7c: {  	_ =	shalt  }
0x7d: {  	_ =	shalt  }
0x7e: {  	_ =	shalt  }
0x7f: {  	_ =	shalt  }
0x80: {  	_ =	shalt  }
0x81: {  	_ =	shalt  }
0x82: {  	_ =	shalt  }
0x83: {  	_ =	shalt  }
0x84: {  	_ =	shalt  }
0x85: {  	_ =	shalt  }
0x86: {  	_ =	shalt  }
0x87: {  	_ =	shalt  }
.Lfunc_end0:
.L_simem_size_0:
called_computation.1_lowered:
.L_overlay_start_0:
0x88: {  	s2 =	sld [smem:$0x3FD9]  }
0x89: {  	s3 =	sld [smem:$0x3FFE];
	_ =	sdelay $0x1  }
0x8a: {  	s1 =	srdreg.scid  }
0x8b: {  	s0 =	sand.u32 $0x1, s1  }
0x8c: {  	s17 =	sshll.u32 s0, $0xA;
	s2 =	sadd.s32 s3, s2  }
0x8d: {  	s2 =	sadd.s32 s2, s17  }
0x8e: {  	[smem:$0x3FC0] =	sst s2  }
0x8f: {  	_ = 	snop  }
0x90: {  	s2 =	sld [smem:$0x3FD0];
	(tm) =	ssettm $0x1  }
0x91: {  	s18 =	sld [smem:$0x3FFB];
	_ =	sdelay $0x3  }
0x92: {  	_ =	strace s18  }
0x93: {  	s3 =	sld [smem:$0x3FFC];
	_ =	sdelay $0x3  }
0x94: {  	_ =	strace s3  }
0x95: {  	s3 =	sld [smem:$0x3FFD];
	_ =	sdelay $0x3  }
0x96: {  	_ =	strace s3  }
0x97: {  	_ =	strace $0x8FFFFFFF  }
0x98: {  	s19 =	sld [smem:$0x3FDB];
	_ =	sdelay $0x1  }
0x99: {  	s4 =	simm.s32 $_scs_section_size  }
0x9a: {  	s5 =	simm.s32 $_size__tile_overlayer_lowered;
	s6 =	simm.s32 $_tile_overlayer_lowered  }
0x9b: {  	s22 =	simm.s32 $0x1BFF;
	s21 =	sshll.u32 s6, $0x1;
	s3 =	sadd.s32 s4, s19  }
0x9c: {  	s7 =	simm.s32 $0x0;
	s20 =	sshll.u32 s5, $0x1;
	s5 =	sadd.s32 s21, s3  }
0x9d: {  	[timem:s7], [sflag:s22] =	dma.local [hbm:s5], s20  }
0x9e: {  	_ =	swait.ge [sflag:s22], s20  }
0x9f: {  	s4 =	ssub.s32 $0x0, s20;
	[sflag:s22] =	ssyncset.done $0x0  }
0xa0: {  	[sflag:s22] =	ssyncadd.s32 s4;
	_ =	sdelay $0x1  }
0xa1: {  	s23 =	simm.s32 $0x1B8B  }
0xa2: {  	_ =	swait.ge [sflag:s23], $0x1  }
0xa3: {  	[sflag:s23] =	ssyncset.done $0x0  }
0xa4: {  	s25 =	simm.s32 $0x1B8E;
	s24 =	sld [smem:$0x3FFE];
	[sflag:s23] =	ssyncadd.s32 $0xFFFFFFFF  }
0xa5: {  	s26 =	simm.s32 $execute0_lowered;
	[smem:$0x3FD2] =	sst s25  }
0xa6: {  	s5 =	sshll.u32 s26, $0x1;
	_ =	strace $0x80000049;
	[dreg:$0x1] =	wrdreg $0xFFFFFFFF  }
0xa7: {  	s28 =	simm.s32 $_size_execute0_lowered;
	s3 =	sadd.s32 s3, s5;
	[dreg:$0x0] =	wrdreg $0x0  }
0xa8: {  	s5 =	sshll.u32 s28, $0x1;
	[dreg:$0x2] =	wrdreg s3  }
0xa9: {  	[dreg:$0x3] =	wrdreg s5  }
0xaa: {  	[dreg:$0x4] =	wrdreg $0xC0  }
0xab: {  	_ =	task [dreg:s7], $0x5FFFF  }
0xac: {  	[dreg:$0x1] =	wrdreg $0xFFFFFFFF  }
0xad: {  	[dreg:$0x0] =	wrdreg $0x60  }
0xae: {  	[dreg:$0x2] =	wrdreg s2  }
0xaf: {  	[dreg:$0x3] =	wrdreg s24  }
0xb0: {  	[dreg:$0x4] =	wrdreg $0x9E200  }
0xb1: {  	[dreg:$0x5] =	wrdreg $0x9  }
0xb2: {  	_ =	task.clear_ibuf [dreg:s7], $0x6FFFF;
	_ =	strace $0x90000049  }
0xb3: {  	s29 =	simm.s32 $0x9;
	_ =	strace $0x8000004B  }
0xb4: {  	_ =	swait.ge [sflag:s29], $0x1  }
0xb5: {  	[sflag:s29] =	ssyncadd.s32 $0xFFFFFFFF  }
0xb6: {  	_ =	strace $0x9000004B  }
0xb7: {  	_ =	sfence  }
0xb8: {  	s30 =	sld [smem:$0x0];
	_ =	sdelay $0x2  }
0xb9: {  	s31 =	sshll.u32 s1, $0xD;
	s1 =	sshrl.u32 s1, $0x2  }
0xba: {  	s3 =	sand.u32 $0x4000, s31;
	s1 =	sadd.s32 s1, s30  }
0xbb: {  	s0 =	sor.u32 s3, s0;
	s1 =	sshll.u32 s1, $0x11  }
0xbc: {  	s0 =	sor.u32 s1, s0  }
0xbd: {  	s0 =	sadd.s32 $0x8F2B, s0  }
0xbe: {  	[sflag:s0] =	ssyncadd.remote.s32 $0x1  }
0xbf: {  	_ =	sfence.sel $0xFFFF  }
0xc0: {  	[dreg:$0x0] =	wrdreg $0xFFFFFFFF;
	(pc) =	sbr.abs _section_cstart, $3  }
0xc1: {  	[dreg:$0x1] =	wrdreg $0xFFFFFFFF  }
0xc2: {  	_ =	task.clear_ibuf [dreg:s7], $0x2FFFF;
	_ =	strace $0x9FFFFFFF  }
0xc3: {  	(tm) =	ssettm $0x7FFFFFFF  }
tec
execute0_lowered:
.L_overlay_start_1:
0x0: {  	(tag) =	ssettag $0x1  }
0x1: {  	s0 =	srdreg.scid;
	s1 =	rddreg [dreg:$0x0]  }
0x2: {  	s2 =	rddreg [dreg:$0x1];
	s10 =	stileid.u32  }
0x3: {  	s3 =	rddreg [dreg:$0x2];
	s29 =	simm.s32 $0x4E20;
	s30 =	simm.s32 $0x5  }
0x4: {  	s31 =	simm.s32 $0x7620;
	s0 =	sand.u32 $0x1, s0;
	s7 =	smul.u32 $0x14000, s10  }
0x5: {  	s9 =	smul.u32 $0x50000, s10;
	p0 =	seq.s32 s10, $0xF;
	s4 =	sshll.u32 s0, $0x4  }
0x6: {  	s6 =	smul.u32 $0x138800, s0;
	s0 =	ssub.s32 $0x2, s0;
	s5 =	sor.u32 s10, s4  }
0x7: {  	s4 =	simm.s32 $0x0;
	s8 =	sshrl.u32 s0, $0x1;
	s24 =	sshrl.u32 s9, $0x2  }
0x8: {  	s10 =	simm.s32 $0x4;
	s5 =	smul.u32 $0x4E2, s5;
	[smem:$0x7FF] =	sst s4  }
0x9: {  	s0 =	ssub.s32 s0, s8;
	s22 =	sadd.s32 s7, s6;
	s6 =	sshrl.u32 s6, $0x3  }
0xa: {  	s11 =	sadd.s32 s24, s3;
	_ =	strace $0x8000004A;
	s8 =	sshrl.u32 s22, $0x3  }
0xb: {  	s0 =	smax.u32 s0, $0x1;
	s25 =	sadd.s32 $0x1400, s11;
	s26 =	sadd.s32 $0x2800, s11  }
0xc: {  	s15 =	sadd.s32 $0x7800, s11;
	s16 =	sadd.s32 $0xA000, s11;
	s17 =	sadd.s32 $0xB400, s11  }
0xd: {  	s18 =	sadd.s32 $0xC800, s11;
	s19 =	sadd.s32 $0xDC00, s11;
	s20 =	sadd.s32 $0xF000, s11  }
0xe: {  	s22 =	sadd.s32 $0x11800, s11;
	s24 =	sadd.s32 $0x3C00, s11;
	[dreg:$0x8] =	wrdreg s0  }
0xf: {  	s28 =	sadd.s32 $0x6400, s11;
	s5 =	sadd.s32 s5, s2;
	[dreg:$0x9] =	wrdreg s25  }
0x10: {  	s2 =	sadd.s32 $0x15200, s2;
	[dreg:$0xa] =	wrdreg s26;
	s0 =	sadd.s32 $0x12D400, s3  }
0x11: {  	s26 =	sadd.s32 $0x5000, s11;
	s21 =	sadd.s32 $0xB400, s5;
	s5 =	sadd.s32 $0x1600, s5  }
0x12: {  	s23 =	sadd.s32 s2, s8;
	s2 =	sadd.s32 s2, s6;
	[dreg:$0x4] =	wrdreg s21  }
0x13: {  	s6 =	sadd.s32 $0x12C000, s3;
	s8 =	simm.s32 $0x3;
	[dreg:$0x5] =	wrdreg s5  }
0x14: {  	[dreg:$0x6] =	wrdreg s23;
	s5 =	sadd.s32 s7, s3;
	s2 =	sadd.s32 $0x25800, s2  }
0x15: {  	s7 =	sadd.s32 $0x8C00, s11;
	s21 =	sadd.s32 $0x10400, s11;
	s23 =	sadd.s32 $0x12C00, s11  }
0x16: {  	s14 =	smov.u32 s6;
	s15 =	smov.u32 @p0 s6;
	s6 =	simm.s32 $0x1  }
0x17: {  	[dreg:$0x7] =	wrdreg s2;
	s2 =	sadd.s32 $0x12E800, s3;
	s7 =	smov.u32 @p0 s0  }
0x18: {  	s0 =	sadd.s32 $0x12FC00, s3;
	s25 =	sshrl.u32 @!p0 s5, $0x3;
	s5 =	simm.s32 $0x8A20  }
0x19: {  	[dreg:$0xb] =	wrdreg s7;
	s16 =	smov.u32 @p0 s2;
	s2 =	sadd.s32 $0x131000, s3  }
0x1a: {  	s17 =	smov.u32 @p0 s0;
	s0 =	sadd.s32 $0x132400, s3;
	s7 =	simm.s32 $0x2  }
0x1b: {  	s18 =	smov.u32 @p0 s2;
	s2 =	sadd.s32 $0x133800, s3;
	s19 =	smov.u32 @p0 s0  }
0x1c: {  	s0 =	sadd.s32 $0x134C00, s3;
	s20 =	smov.u32 @p0 s2;
	s2 =	sadd.s32 $0x136000, s3  }
0x1d: {  	s21 =	smov.u32 @p0 s0;
	s0 =	sadd.s32 $0x137400, s3;
	s22 =	smov.u32 @p0 s2  }
0x1e: {  	v0 =	vimm.f32 $0.0e+00;
	s23 =	smov.u32 @p0 s0;
	s2 =	simm.s32 $0x28;
	s0 =	simm.s32 $0x6220  }
.LBB2_1:
0x1f: {  	s12 =	simm.s32 $0x0;
	s13 =	simm.s32 $0x200  }
.LBB2_2:
0x20: {  	p1 =	sne.s32 s13, $0x4E00;
	[tilespmem:s12+$0x4E90] =	vst v0  }
0x21: {  	[tilespmem:s12+$0x4E20] =	vst v0  }
0x22: {  	[tilespmem:s12+$0x4E30] =	vst v0  }
.Ltmp0:
0x23: {  	[tilespmem:s12+$0x4E40] =	vst v0;
	(pc) =	sbr.rel @p1 .LBB2_2-.Ltmp0, $4  }
0x24: {  	[tilespmem:s12+$0x4E50] =	vst v0  }
0x25: {  	[tilespmem:s12+$0x4E60] =	vst v0  }
0x26: {  	[tilespmem:s12+$0x4E70] =	vst v0  }
0x27: {  	[tilespmem:s12+$0x4E80] =	vst v0;
	s12 =	sshra.s32 s13, $0x2;
	s13 =	sadd.s32 $0x200, s13  }
0x28: {  	[tilespmem:s12+$0x4E90] =	vst v0  }
0x29: {  	[tilespmem:s12+$0x4E20] =	vst v0  }
0x2a: {  	[tilespmem:s12+$0x4E30] =	vst v0  }
0x2b: {  	[tilespmem:s12+$0x4E40] =	vst v0  }
0x2c: {  	[tilespmem:s12+$0x4E50] =	vst v0  }
0x2d: {  	[tilespmem:s12+$0x4E60] =	vst v0  }
0x2e: {  	[tilespmem:s12+$0x4E70] =	vst v0  }
0x2f: {  	[tilespmem:s12+$0x4E80] =	vst v0;
	s12 =	simm.s32 @!p0 $0x4E20;
	s13 =	simm.s32 @!p0 $0x5  }
0x30: {  	[spmem:s11] =	stream.linear.scatter @!p0 [tilespmem:s12], [sflag:$0x5], $0x1400, $0x38;
	[tilespmem:$0x1D6A0] =	vst v63  }
0x31: {  	_ =	swait.ge @!p0 [sflag:s13], $0x1400  }
0x32: {  	[sflag:s13] =	ssyncset.done @!p0 $0x0  }
0x33: {  	s9 =	rddreg [dreg:$0x9];
	[sflag:s13] =	ssyncadd.s32 @!p0 $0xFFFFEC00  }
0x34: {  	[spmem:s9] =	stream.linear.scatter @!p0 [tilespmem:s12], [sflag:$0x5], $0x1400, $0x38;
	[tilespmem:$0x1D6A0] =	vst v63  }
0x35: {  	_ =	swait.ge @!p0 [sflag:s13], $0x1400  }
0x36: {  	[sflag:s13] =	ssyncset.done @!p0 $0x0  }
0x37: {  	s9 =	rddreg [dreg:$0xa];
	[sflag:s13] =	ssyncadd.s32 @!p0 $0xFFFFEC00  }
0x38: {  	[spmem:s9] =	stream.linear.scatter @!p0 [tilespmem:s12], [sflag:$0x5], $0x1400, $0x38;
	[tilespmem:$0x1D6A0] =	vst v63  }
0x39: {  	_ =	swait.ge @!p0 [sflag:s13], $0x1400  }
0x3a: {  	[sflag:s13] =	ssyncset.done @!p0 $0x0  }
0x3b: {  	[sflag:s13] =	ssyncadd.s32 @!p0 $0xFFFFEC00  }
0x3c: {  	[spmem:s24] =	stream.linear.scatter @!p0 [tilespmem:s12], [sflag:$0x5], $0x1400, $0x38;
	[tilespmem:$0x1D6A0] =	vst v63  }
0x3d: {  	_ =	swait.ge @!p0 [sflag:s13], $0x1400  }
0x3e: {  	[sflag:s13] =	ssyncset.done @!p0 $0x0  }
0x3f: {  	[sflag:s13] =	ssyncadd.s32 @!p0 $0xFFFFEC00  }
0x40: {  	[spmem:s26] =	stream.linear.scatter @!p0 [tilespmem:s12], [sflag:$0x5], $0x1400, $0x38;
	[tilespmem:$0x1D6A0] =	vst v63  }
0x41: {  	_ =	swait.ge @!p0 [sflag:s13], $0x1400  }
0x42: {  	[sflag:s13] =	ssyncset.done @!p0 $0x0  }
0x43: {  	[sflag:s13] =	ssyncadd.s32 @!p0 $0xFFFFEC00  }
0x44: {  	[spmem:s28] =	stream.linear.scatter @!p0 [tilespmem:s12], [sflag:$0x5], $0x1400, $0x38;
	[tilespmem:$0x1D6A0] =	vst v63  }
0x45: {  	_ =	swait.ge @!p0 [sflag:s13], $0x1400  }
0x46: {  	[sflag:s13] =	ssyncset.done @!p0 $0x0  }
0x47: {  	[sflag:s13] =	ssyncadd.s32 @!p0 $0xFFFFEC00  }
0x48: {  	[spmem:s15] =	stream.linear.scatter [tilespmem:s29], [sflag:$0x5], $0x1400, $0x38;
	[tilespmem:$0x1D6A0] =	vst v63  }
0x49: {  	_ =	swait.ge [sflag:s30], $0x1400  }
0x4a: {  	[sflag:s30] =	ssyncset.done $0x0  }
0x4b: {  	s12 =	rddreg [dreg:$0xb];
	[sflag:s30] =	ssyncadd.s32 $0xFFFFEC00  }
0x4c: {  	[spmem:s12] =	stream.linear.scatter [tilespmem:s29], [sflag:$0x5], $0x1400, $0x38;
	[tilespmem:$0x1D6A0] =	vst v63  }
0x4d: {  	_ =	swait.ge [sflag:s30], $0x1400  }
0x4e: {  	[sflag:s30] =	ssyncset.done $0x0  }
0x4f: {  	[sflag:s30] =	ssyncadd.s32 $0xFFFFEC00  }
0x50: {  	[spmem:s16] =	stream.linear.scatter [tilespmem:s29], [sflag:$0x5], $0x1400, $0x38;
	[tilespmem:$0x1D6A0] =	vst v63  }
0x51: {  	_ =	swait.ge [sflag:s30], $0x1400  }
0x52: {  	[sflag:s30] =	ssyncset.done $0x0  }
0x53: {  	[sflag:s30] =	ssyncadd.s32 $0xFFFFEC00  }
0x54: {  	[spmem:s17] =	stream.linear.scatter [tilespmem:s29], [sflag:$0x5], $0x1400, $0x38;
	[tilespmem:$0x1D6A0] =	vst v63  }
0x55: {  	_ =	swait.ge [sflag:s30], $0x1400  }
0x56: {  	[sflag:s30] =	ssyncset.done $0x0  }
0x57: {  	[sflag:s30] =	ssyncadd.s32 $0xFFFFEC00  }
0x58: {  	[spmem:s18] =	stream.linear.scatter [tilespmem:s29], [sflag:$0x5], $0x1400, $0x38;
	[tilespmem:$0x1D6A0] =	vst v63  }
0x59: {  	_ =	swait.ge [sflag:s30], $0x1400  }
0x5a: {  	[sflag:s30] =	ssyncset.done $0x0  }
0x5b: {  	[sflag:s30] =	ssyncadd.s32 $0xFFFFEC00  }
0x5c: {  	[spmem:s19] =	stream.linear.scatter [tilespmem:s29], [sflag:$0x5], $0x1400, $0x38;
	[tilespmem:$0x1D6A0] =	vst v63  }
0x5d: {  	_ =	swait.ge [sflag:s30], $0x1400  }
0x5e: {  	[sflag:s30] =	ssyncset.done $0x0  }
0x5f: {  	[sflag:s30] =	ssyncadd.s32 $0xFFFFEC00  }
0x60: {  	[spmem:s20] =	stream.linear.scatter [tilespmem:s29], [sflag:$0x5], $0x1400, $0x38;
	[tilespmem:$0x1D6A0] =	vst v63  }
0x61: {  	_ =	swait.ge [sflag:s30], $0x1400  }
0x62: {  	[sflag:s30] =	ssyncset.done $0x0  }
0x63: {  	[sflag:s30] =	ssyncadd.s32 $0xFFFFEC00  }
0x64: {  	[spmem:s21] =	stream.linear.scatter [tilespmem:s29], [sflag:$0x5], $0x1400, $0x38;
	[tilespmem:$0x1D6A0] =	vst v63  }
0x65: {  	_ =	swait.ge [sflag:s30], $0x1400  }
0x66: {  	[sflag:s30] =	ssyncset.done $0x0  }
0x67: {  	[sflag:s30] =	ssyncadd.s32 $0xFFFFEC00  }
0x68: {  	[spmem:s22] =	stream.linear.scatter [tilespmem:s29], [sflag:$0x5], $0x1400, $0x38;
	[tilespmem:$0x1D6A0] =	vst v63  }
0x69: {  	_ =	swait.ge [sflag:s30], $0x1400  }
0x6a: {  	[sflag:s30] =	ssyncset.done $0x0  }
0x6b: {  	[sflag:s30] =	ssyncadd.s32 $0xFFFFEC00  }
0x6c: {  	[spmem:s23] =	stream.linear.scatter [tilespmem:s29], [sflag:$0x5], $0x1400, $0x38;
	[tilespmem:$0x1D6A0] =	vst v63  }
0x6d: {  	_ =	swait.ge [sflag:s30], $0x1400  }
0x6e: {  	[sflag:s30] =	ssyncset.done $0x0  }
0x6f: {  	s12 =	simm.s32 $0x0;
	s13 =	rddreg [dreg:$0x4];
	[sflag:s30] =	ssyncadd.s32 $0xFFFFEC00  }
0x70: {  	[tilespmem:s12], [sflag:$0x5] =	stream.linear.gather [hbm4b:s13+s12], $0x2710, $0x38;
	[tilespmem:$0x1D6A0] =	vst v63  }
0x71: {  	_ =	swait.ge [sflag:s30], $0x2710  }
0x72: {  	[sflag:s30] =	ssyncset.done $0x0  }
0x73: {  	s13 =	simm.s32 $0x2710;
	s9 =	rddreg [dreg:$0x5];
	[sflag:s30] =	ssyncadd.s32 $0xFFFFD8F0  }
0x74: {  	[tilespmem:s13], [sflag:$0x5] =	stream.linear.gather [hbm4b:s9+s12], $0x2710, $0x38;
	[tilespmem:$0x1D6A0] =	vst v63  }
0x75: {  	_ =	swait.ge [sflag:s30], $0x2710  }
0x76: {  	[sflag:s30] =	ssyncset.done $0x0  }
0x77: {  	[sflag:s30] =	ssyncadd.s32 $0xFFFFD8F0  }
0x78: {  	[bflag:$0x0] =	sbarrier.arrive $0xFFFF  }
0x79: {  	[tilespmem:s29], [sflag:$0x1] =	stream.indirect.gather [hbm4b:s1+s2], $0x80, s12, s2, $0xb8;
	[tilespmem:$0x1D6A0] =	vst v63  }
0x7a: {  	_ = 	snop  }
0x7b: {  	[tilespmem:s0], [sflag:$0x2] =	stream.indirect.gather [hbm4b:s1+s2], $0x80, s2, s2, $0xb8;
	[tilespmem:$0x1D6A0] =	vst v63  }
0x7c: {  	s13 =	simm.s32 $0x50  }
0x7d: {  	[tilespmem:s31], [sflag:$0x3] =	stream.indirect.gather [hbm4b:s1+s2], $0x80, s13, s2, $0xb8;
	[tilespmem:$0x1D6A0] =	vst v63  }
0x7e: {  	s12 =	simm.s32 $0x78  }
0x7f: {  	[tilespmem:s5], [sflag:$0x4] =	stream.indirect.gather [hbm4b:s1+s2], $0x80, s12, s2, $0xb8;
	[tilespmem:$0x1D6A0] =	vst v63  }
0x80: {  	_ =	swait.ge [sflag:s6], $0x1400  }
0x81: {  	[sflag:s6] =	ssyncset.done $0x0  }
0x82: {  	s13 =	simm.s32 $0x2710;
	[sflag:s6] =	ssyncadd.s32 $0xFFFFEC00  }
0x83: {  	[spmem:s3] =	stream.indirect.scatter.add.f32 [tilespmem:s29], [sflag:$0x5], $0x80, s13, s2, $0xb8;
	[tilespmem:$0x1D6A0] =	vst v63  }
0x84: {  	_ =	swait.ge [sflag:s30], $0x1400  }
0x85: {  	[sflag:s30] =	ssyncset.done $0x0  }
0x86: {  	s9 =	simm.s32 $0xA0;
	[sflag:s30] =	ssyncadd.s32 $0xFFFFEC00  }
0x87: {  	[tilespmem:s29], [sflag:$0x1] =	stream.indirect.gather [hbm4b:s1+s2], $0x80, s9, s2, $0xb8;
	[tilespmem:$0x1D6A0] =	vst v63  }
0x88: {  	_ =	swait.ge [sflag:s7], $0x1400  }
0x89: {  	[sflag:s7] =	ssyncset.done $0x0  }
0x8a: {  	s13 =	simm.s32 $0x2738;
	[sflag:s7] =	ssyncadd.s32 $0xFFFFEC00  }
0x8b: {  	[spmem:s3] =	stream.indirect.scatter.add.f32 [tilespmem:s0], [sflag:$0x5], $0x80, s13, s2, $0xb8;
	[tilespmem:$0x1D6A0] =	vst v63  }
0x8c: {  	_ =	swait.ge [sflag:s30], $0x1400  }
0x8d: {  	[sflag:s30] =	ssyncset.done $0x0  }
0x8e: {  	s9 =	simm.s32 $0xC8;
	[sflag:s30] =	ssyncadd.s32 $0xFFFFEC00  }
0x8f: {  	[tilespmem:s0], [sflag:$0x2] =	stream.indirect.gather [hbm4b:s1+s2], $0x80, s9, s2, $0xb8;
	[tilespmem:$0x1D6A0] =	vst v63  }
0x90: {  	_ =	swait.ge [sflag:s8], $0x1400  }
0x91: {  	[sflag:s8] =	ssyncset.done $0x0  }
0x92: {  	s13 =	simm.s32 $0x2760;
	[sflag:s8] =	ssyncadd.s32 $0xFFFFEC00  }
0x93: {  	[spmem:s3] =	stream.indirect.scatter.add.f32 [tilespmem:s31], [sflag:$0x5], $0x80, s13, s2, $0xb8;
	[tilespmem:$0x1D6A0] =	vst v63  }
0x94: {  	_ =	swait.ge [sflag:s30], $0x1400  }
0x95: {  	[sflag:s30] =	ssyncset.done $0x0  }
0x96: {  	s9 =	simm.s32 $0xF0;
	[sflag:s30] =	ssyncadd.s32 $0xFFFFEC00  }
0x97: {  	[tilespmem:s31], [sflag:$0x3] =	stream.indirect.gather [hbm4b:s1+s2], $0x80, s9, s2, $0xb8;
	[tilespmem:$0x1D6A0] =	vst v63  }
0x98: {  	_ =	swait.ge [sflag:s10], $0x1400  }
0x99: {  	[sflag:s10] =	ssyncset.done $0x0  }
0x9a: {  	s13 =	simm.s32 $0x2788;
	[sflag:s10] =	ssyncadd.s32 $0xFFFFEC00  }
0x9b: {  	[spmem:s3] =	stream.indirect.scatter.add.f32 [tilespmem:s5], [sflag:$0x5], $0x80, s13, s2, $0xb8;
	[tilespmem:$0x1D6A0] =	vst v63  }
0x9c: {  	_ =	swait.ge [sflag:s30], $0x1400  }
0x9d: {  	[sflag:s30] =	ssyncset.done $0x0  }
0x9e: {  	s12 =	simm.s32 $0x280;
	s13 =	simm.s32 $0x118;
	[sflag:s30] =	ssyncadd.s32 $0xFFFFEC00  }
.LBB2_4:
0x9f: {  	[tilespmem:s5], [sflag:$0x4] =	stream.indirect.gather [hbm4b:s1+s2], $0x80, s13, s2, $0xb8;
	[tilespmem:$0x1D6A0] =	vst v63  }
0xa0: {  	s13 =	smov.u32 s12  }
0xa1: {  	p1 =	sne.s32 s12, $0x9600;
	s12 =	sadd.s32 $0x280, s12;
	_ =	swait.ge [sflag:s6], $0x1400  }
0xa2: {  	s13 =	sshra.s32 s13, $0x2;
	[sflag:s6] =	ssyncset.done $0x0  }
0xa3: {  	s9 =	sadd.s32 $0x2710, s13;
	[sflag:s6] =	ssyncadd.s32 $0xFFFFEC00  }
0xa4: {  	[spmem:s3] =	stream.indirect.scatter.add.f32 [tilespmem:s29], [sflag:$0x5], $0x80, s9, s2, $0xb8;
	[tilespmem:$0x1D6A0] =	vst v63  }
0xa5: {  	_ =	swait.ge [sflag:s30], $0x1400  }
0xa6: {  	[sflag:s30] =	ssyncset.done $0x0  }
0xa7: {  	s9 =	sadd.s32 $0xA0, s13;
	[sflag:s30] =	ssyncadd.s32 $0xFFFFEC00  }
0xa8: {  	[tilespmem:s29], [sflag:$0x1] =	stream.indirect.gather [hbm4b:s1+s2], $0x80, s9, s2, $0xb8;
	[tilespmem:$0x1D6A0] =	vst v63  }
0xa9: {  	_ =	swait.ge [sflag:s7], $0x1400  }
0xaa: {  	[sflag:s7] =	ssyncset.done $0x0  }
0xab: {  	s9 =	sadd.s32 $0x2738, s13;
	[sflag:s7] =	ssyncadd.s32 $0xFFFFEC00  }
0xac: {  	[spmem:s3] =	stream.indirect.scatter.add.f32 [tilespmem:s0], [sflag:$0x5], $0x80, s9, s2, $0xb8;
	[tilespmem:$0x1D6A0] =	vst v63  }
0xad: {  	_ =	swait.ge [sflag:s30], $0x1400  }
0xae: {  	[sflag:s30] =	ssyncset.done $0x0  }
0xaf: {  	s9 =	sadd.s32 $0xC8, s13;
	[sflag:s30] =	ssyncadd.s32 $0xFFFFEC00  }
0xb0: {  	[tilespmem:s0], [sflag:$0x2] =	stream.indirect.gather [hbm4b:s1+s2], $0x80, s9, s2, $0xb8;
	[tilespmem:$0x1D6A0] =	vst v63  }
0xb1: {  	_ =	swait.ge [sflag:s8], $0x1400  }
0xb2: {  	[sflag:s8] =	ssyncset.done $0x0  }
0xb3: {  	s9 =	sadd.s32 $0x2760, s13;
	[sflag:s8] =	ssyncadd.s32 $0xFFFFEC00  }
0xb4: {  	[spmem:s3] =	stream.indirect.scatter.add.f32 [tilespmem:s31], [sflag:$0x5], $0x80, s9, s2, $0xb8;
	[tilespmem:$0x1D6A0] =	vst v63  }
0xb5: {  	_ =	swait.ge [sflag:s30], $0x1400  }
0xb6: {  	[sflag:s30] =	ssyncset.done $0x0  }
0xb7: {  	s9 =	sadd.s32 $0xF0, s13;
	[sflag:s30] =	ssyncadd.s32 $0xFFFFEC00  }
0xb8: {  	[tilespmem:s31], [sflag:$0x3] =	stream.indirect.gather [hbm4b:s1+s2], $0x80, s9, s2, $0xb8;
	[tilespmem:$0x1D6A0] =	vst v63  }
0xb9: {  	_ =	swait.ge [sflag:s10], $0x1400  }
0xba: {  	[sflag:s10] =	ssyncset.done $0x0  }
.Ltmp1:
0xbb: {  	s9 =	sadd.s32 $0x2788, s13;
	[sflag:s10] =	ssyncadd.s32 $0xFFFFEC00;
	(pc) =	sbr.rel @p1 .LBB2_4-.Ltmp1, $4  }
0xbc: {  	[spmem:s3] =	stream.indirect.scatter.add.f32 [tilespmem:s5], [sflag:$0x5], $0x80, s9, s2, $0xb8;
	[tilespmem:$0x1D6A0] =	vst v63  }
0xbd: {  	_ =	swait.ge [sflag:s30], $0x1400  }
0xbe: {  	[sflag:s30] =	ssyncset.done $0x0  }
0xbf: {  	s13 =	sadd.s32 $0x118, s13;
	[sflag:s30] =	ssyncadd.s32 $0xFFFFEC00  }
0xc0: {  	[tilespmem:s5], [sflag:$0x4] =	stream.indirect.gather [hbm4b:s1+s2], $0x80, s13, s2, $0xb8;
	[tilespmem:$0x1D6A0] =	vst v63  }
0xc1: {  	_ =	swait.ge [sflag:s6], $0x1400  }
0xc2: {  	[sflag:s6] =	ssyncset.done $0x0  }
0xc3: {  	s9 =	simm.s32 $0x4D30;
	[sflag:s6] =	ssyncadd.s32 $0xFFFFEC00  }
0xc4: {  	[spmem:s3] =	stream.indirect.scatter.add.f32 [tilespmem:s29], [sflag:$0x5], $0x80, s9, s2, $0xb8;
	[tilespmem:$0x1D6A0] =	vst v63  }
0xc5: {  	_ =	swait.ge [sflag:s30], $0x1400  }
0xc6: {  	[sflag:s30] =	ssyncset.done $0x0  }
0xc7: {  	s12 =	simm.s32 $0x26C0;
	[sflag:s30] =	ssyncadd.s32 $0xFFFFEC00  }
0xc8: {  	[tilespmem:s29], [sflag:$0x1] =	stream.indirect.gather [hbm4b:s1+s2], $0x80, s12, s2, $0xb8;
	[tilespmem:$0x1D6A0] =	vst v63  }
0xc9: {  	_ =	swait.ge [sflag:s7], $0x1400  }
0xca: {  	[sflag:s7] =	ssyncset.done $0x0  }
0xcb: {  	s13 =	simm.s32 $0x4D58;
	[sflag:s7] =	ssyncadd.s32 $0xFFFFEC00  }
0xcc: {  	[spmem:s3] =	stream.indirect.scatter.add.f32 [tilespmem:s0], [sflag:$0x5], $0x80, s13, s2, $0xb8;
	[tilespmem:$0x1D6A0] =	vst v63  }
0xcd: {  	_ =	swait.ge [sflag:s30], $0x1400  }
0xce: {  	[sflag:s30] =	ssyncset.done $0x0  }
0xcf: {  	s12 =	simm.s32 $0x26E8;
	[sflag:s30] =	ssyncadd.s32 $0xFFFFEC00  }
0xd0: {  	[tilespmem:s0], [sflag:$0x2] =	stream.indirect.gather [hbm4b:s1+s2], $0x80, s12, s2, $0xb8;
	[tilespmem:$0x1D6A0] =	vst v63  }
0xd1: {  	_ =	swait.ge [sflag:s8], $0x1400  }
0xd2: {  	[sflag:s8] =	ssyncset.done $0x0  }
0xd3: {  	s13 =	simm.s32 $0x4D80;
	[sflag:s8] =	ssyncadd.s32 $0xFFFFEC00  }
0xd4: {  	[spmem:s3] =	stream.indirect.scatter.add.f32 [tilespmem:s31], [sflag:$0x5], $0x80, s13, s2, $0xb8;
	[tilespmem:$0x1D6A0] =	vst v63  }
0xd5: {  	_ =	swait.ge [sflag:s30], $0x1400  }
0xd6: {  	[sflag:s30] =	ssyncset.done $0x0  }
0xd7: {  	[sflag:s30] =	ssyncadd.s32 $0xFFFFEC00  }
0xd8: {  	_ =	swait.ge [sflag:s10], $0x1400  }
0xd9: {  	[sflag:s10] =	ssyncset.done $0x0  }
0xda: {  	s12 =	simm.s32 $0x4DA8;
	[sflag:s10] =	ssyncadd.s32 $0xFFFFEC00  }
0xdb: {  	[spmem:s3] =	stream.indirect.scatter.add.f32 [tilespmem:s5], [sflag:$0x5], $0x80, s12, s2, $0xb8;
	[tilespmem:$0x1D6A0] =	vst v63  }
0xdc: {  	_ =	swait.ge [sflag:s30], $0x1400  }
0xdd: {  	[sflag:s30] =	ssyncset.done $0x0  }
0xde: {  	[sflag:s30] =	ssyncadd.s32 $0xFFFFEC00  }
0xdf: {  	_ =	swait.ge [sflag:s6], $0x1400  }
0xe0: {  	[sflag:s6] =	ssyncset.done $0x0  }
0xe1: {  	s13 =	simm.s32 $0x4DD0;
	[sflag:s6] =	ssyncadd.s32 $0xFFFFEC00  }
0xe2: {  	[spmem:s3] =	stream.indirect.scatter.add.f32 [tilespmem:s29], [sflag:$0x5], $0x80, s13, s2, $0xb8;
	[tilespmem:$0x1D6A0] =	vst v63  }
0xe3: {  	_ =	swait.ge [sflag:s30], $0x1400  }
0xe4: {  	[sflag:s30] =	ssyncset.done $0x0  }
0xe5: {  	[sflag:s30] =	ssyncadd.s32 $0xFFFFEC00  }
0xe6: {  	_ =	swait.ge [sflag:s7], $0x1400  }
0xe7: {  	[sflag:s7] =	ssyncset.done $0x0  }
0xe8: {  	s12 =	simm.s32 $0x4DF8;
	[sflag:s7] =	ssyncadd.s32 $0xFFFFEC00  }
0xe9: {  	[spmem:s3] =	stream.indirect.scatter.add.f32 [tilespmem:s0], [sflag:$0x5], $0x80, s12, s2, $0xb8;
	[tilespmem:$0x1D6A0] =	vst v63  }
0xea: {  	_ =	swait.ge [sflag:s30], $0x1400  }
0xeb: {  	[sflag:s30] =	ssyncset.done $0x0  }
0xec: {  	[sflag:s30] =	ssyncadd.s32 $0xFFFFEC00  }
0xed: {  	[bflag:$0x0] =	sbarrier.arrive $0xFFFF  }
0xee: {  	s9 =	sshrl.u32 @p0 s14, $0x3;
	s12 =	simm.s32 @p0 $0x1FC5;
	s13 =	rddreg [dreg:$0x7]  }
0xef: {  	[hbm:s13], [sflag:s12] =	dma.local @p0 [spmem:s9], $0x1900  }
0xf0: {  	s9 =	simm.s32 @p0 $0x5  }
0xf1: {  	s12 =	stileid.u32;
	_ =	swait.ge @p0 [sflag:s9], $0x1900  }
0xf2: {  	s12 =	sshll.u32 @!p0 s12, $0x6;
	[sflag:s9] =	ssyncset.done @p0 $0x0  }
0xf3: {  	[sflag:s9] =	ssyncadd.s32 @p0 $0xFFFFE700;
	s9 =	sor.u32 @!p0 $0x1C05, s12;
	s12 =	rddreg [dreg:$0x6]  }
0xf4: {  	[hbm:s12], [sflag:s9] =	dma.local @!p0 [spmem:s25], $0x2800  }
0xf5: {  	s9 =	simm.s32 @!p0 $0x5  }
0xf6: {  	_ =	swait.ge @!p0 [sflag:s9], $0x2800  }
0xf7: {  	s4 =	sadd.s32 $0x1, s4;
	s13 =	rddreg [dreg:$0x8]  }
0xf8: {  	p1 =	sne.s32 s4, s13  }
.Ltmp2:
0xf9: {  	_ = 	snop;
	(pc) =	sbr.rel @p1 .LBB2_1-.Ltmp2, $3  }
0xfa: {  	_ =	sdelay $0x1  }
0xfb: {  	[sflag:s9] =	ssyncset.done @!p0 $0x0  }
0xfc: {  	[sflag:s9] =	ssyncadd.s32 @!p0 $0xFFFFD800  }
0xfd: {  	_ =	sfence.sel $0x180000  }
0xfe: {  	[bflag:$0x0] =	sbarrier.arrive $0xFFFF  }
0xff: {  	_ =	strace $0x9000004A  }
0x100: {  	s0 =	stileid.u32;
	[bflag:$0x2] =	sbarrier.arrive $0xFFFF  }
0x101: {  	p0 =	sne.s32 s0, $0x0;
	s0 =	rddreg [dreg:$0x3]  }
0x102: {  	s0 =	sadd.s32 @!p0 $0x100000, s0  }
0x103: {  	[sflag:s0] =	ssyncadd.tile.s32 @!p0 $0x1;
	_ =	shalt  }
.Lfunc_end2:
_tile_overlayer_lowered:
.L_overlay_start_2:
0x104: {  	(tag) =	ssettag $0x2  }
0x105: {  	s0 =	rddreg [dreg:$0x0];
	s2 =	stileid.u32  }
0x106: {  	s1 =	rddreg [dreg:$0x1];
	p0 =	sne.s32 s2, $0x0  }
0x107: {  	s3 =	rddreg [dreg:$0x2];
	[bflag:$0x3] =	sbarrier.arrive $0xFFFF;
	s2 =	simm.s32 @!p0 $0x1C05  }
0x108: {  	[timem:s3], [sflag:s2] =	dma.local @!p0 [hbm:s0], s1  }
0x109: {  	s0 =	simm.s32 @!p0 $0x5  }
0x10a: {  	_ =	swait.ge @!p0 [sflag:s0], s1  }
0x10b: {  	s1 =	ssub.s32 @!p0 $0x0, s1;
	[sflag:s0] =	ssyncset.done @!p0 $0x0  }
0x10c: {  	[sflag:s0] =	ssyncadd.s32 @!p0 s1  }
0x10d: {  	[bflag:$0x3] =	sbarrier.arrive $0xFFFF  }
0x10e: {  	_ =	shalt  }

// kernel: kernel.7.cloned.1.call-start
scs
__scs_entry_jumppad:
0x0: {  	(pc) =	sbr.rel $0x88, $3  }
0x1: {  	(tag) =	ssettag $0x0;
	lr =	simm.s32 $0x1  }
0x2: {  	[smem:$0x3F99] =	sst lr;
	_ =	strace $0xD0000000  }
0x3: {  	_ = 	snop  }
0x4: {  	_ = 	snop  }
0x5: {  	_ = 	snop  }
0x6: {  	_ = 	snop  }
0x7: {  	_ = 	snop  }
__scs_overlays_trampoline_lowered:
0x8: {  	[smem:$0x3FA8] =	sst s0  }
0x9: {  	[smem:$0x3FA9] =	sst s1  }
0xa: {  	[smem:$0x3FAA] =	sst s2  }
0xb: {  	[smem:$0x3FAB] =	sst s3  }
0xc: {  	[smem:$0x3FAC] =	sst s4  }
0xd: {  	[smem:$0x3FAD] =	sst s5  }
0xe: {  	[smem:$0x3FAE] =	sst s6  }
0xf: {  	[smem:$0x3FAF] =	sst s7  }
0x10: {  	[smem:$0x3FB0] =	sst s8  }
0x11: {  	[smem:$0x3FB1] =	sst s9;
	s0 =	simm.s32 @!p0 $0x0  }
0x12: {  	s1 =	sld [smem:$0x3F97];
	s0 =	simm.s32 @p0 $0x1  }
0x13: {  	[smem:$0x3FB2] =	sst s0;
	s0 =	simm.s32 @!p1 $0x0  }
0x14: {  	s2 =	sld [smem:$0x3F96];
	s0 =	simm.s32 @p1 $0x1  }
0x15: {  	[smem:$0x3FB3] =	sst s0;
	s0 =	simm.s32 @!p2 $0x0  }
0x16: {  	s3 =	sld [smem:$0x3FDB];
	s0 =	simm.s32 @p2 $0x1  }
0x17: {  	s4 =	simm.s32 $0x1BF5;
	[smem:$0x3FB5] =	sst s0  }
0x18: {  	s0 =	sld [smem:$0x3F98];
	_ =	swait.ge [sflag:s4], $0x0  }
0x19: {  	s7 =	sld [smem:$0x3F99]  }
0x1a: {  	s8 =	sadd.s32 $0xFFFFE003, lr  }
0x1b: {  	s9 =	sadd.s32 $0xFFFFFEF7, lr;
	s5 =	simm.s32 $0xFFFFFFFF;
	p2 =	slt.u32 s8, $0xFFFFF086  }
0x1c: {  	p1 =	slt.u32 s9, $0xF7A;
	s5 =	simm.s32 @!p2 $0x0  }
0x1d: {  	s5 =	simm.s32 @p1 $0x1;
	p0 =	seq.s32 s7, s2  }
0x1e: {  	s7 =	smul.u32 @!p0 $0xF7A, s2;
	p2 =	seq.s32 @!p0 s5, $0x0  }
0x1f: {  	s9 =	smul.u32 $0xF7A, s1;
	s8 =	simm.s32 @!p0 $0x1BF5;
	p2 =	por !p2, p0  }
0x20: {  	[sflag:s8] =	ssyncset.s32 @!p0 $0xFFFFF086;
	s6 =	sadd.s32 @!p0 s3, s7;
	s7 =	simm.s32 @!p0 $0x108  }
0x21: {  	s3 =	sadd.s32 s3, s9;
	s6 =	sadd.s32 @!p0 $0x88, s6;
	s7 =	simm.s32 @p2 $0x1082  }
0x22: {  	[simem:s7], [sflag:s8] =	dma.local @!p0 [hbm:s6], $0xF7A  }
0x23: {  	s9 =	sor.u32 $0xD0000000, s2;
	s6 =	simm.s32 $0x108;
	_ =	swait.ge @!p0 [sflag:s8], $0x0  }
0x24: {  	s3 =	sadd.s32 $0x88, s3;
	s6 =	simm.s32 @!p1 $0x1082;
	[sflag:s4] =	ssyncset.s32 $0xFFFFF086  }
0x25: {  	[simem:s6], [sflag:s4] =	dma.local [hbm:s3], $0xF7A  }
0x26: {  	[smem:$0x3F99] =	sst s1;
	(tag) =	ssettag s2;
	_ =	strace s9  }
0x27: {  	s1 =	sld [smem:$0x3FA9]  }
0x28: {  	s2 =	sld [smem:$0x3FAA]  }
0x29: {  	s4 =	sld [smem:$0x3FAC]  }
0x2a: {  	p0 =	seq.s32 s5, $0x0;
	s5 =	sld [smem:$0x3FAD]  }
0x2b: {  	s6 =	sld [smem:$0x3FAE]  }
0x2c: {  	s7 =	sld [smem:$0x3FAF]  }
0x2d: {  	s3 =	simm.s32 $0x108;
	s8 =	sld [smem:$0x3FB0]  }
0x2e: {  	s3 =	simm.s32 @!p0 $0x1082;
	s9 =	sld [smem:$0x3FB1]  }
0x2f: {  	lr =	sadd.s32 s0, s3;
	s0 =	sld [smem:$0x3FA8]  }
0x30: {  	s3 =	sld [smem:$0x3FAB]  }
0x31: {  	[smem:$0x3FB4] =	sst s10  }
0x32: {  	s10 =	sld [smem:$0x3FB2];
	_ =	sdelay $0x3  }
0x33: {  	p0 =	seq.s32 s10, $0x1;
	s10 =	sld [smem:$0x3FB4];
	_ =	sdelay $0x3  }
0x34: {  	[smem:$0x3FB4] =	sst s10  }
0x35: {  	s10 =	sld [smem:$0x3FB3];
	_ =	sdelay $0x3  }
0x36: {  	p1 =	seq.s32 s10, $0x1;
	s10 =	sld [smem:$0x3FB4];
	_ =	sdelay $0x3  }
0x37: {  	[smem:$0x3FB4] =	sst s10  }
0x38: {  	s10 =	sld [smem:$0x3FB5]  }
0x39: {  	_ = 	snop;
	(pc) =	sbr.ind lr, $3  }
0x3a: {  	_ = 	snop  }
0x3b: {  	_ = 	snop  }
0x3c: {  	p2 =	seq.s32 s10, $0x1;
	s10 =	sld [smem:$0x3FB4]  }
0x3d: {  	_ =	shalt  }
0x3e: {  	_ =	shalt  }
0x3f: {  	_ =	shalt  }
0x40: {  	_ =	shalt  }
0x41: {  	_ =	shalt  }
0x42: {  	_ =	shalt  }
0x43: {  	_ =	shalt  }
0x44: {  	_ =	shalt  }
0x45: {  	_ =	shalt  }
0x46: {  	_ =	shalt  }
0x47: {  	_ =	shalt  }
0x48: {  	_ =	shalt  }
0x49: {  	_ =	shalt  }
0x4a: {  	_ =	shalt  }
0x4b: {  	_ =	shalt  }
0x4c: {  	_ =	shalt  }
0x4d: {  	_ =	shalt  }
0x4e: {  	_ =	shalt  }
0x4f: {  	_ =	shalt  }
0x50: {  	_ =	shalt  }
0x51: {  	_ =	shalt  }
0x52: {  	_ =	shalt  }
0x53: {  	_ =	shalt  }
0x54: {  	_ =	shalt  }
0x55: {  	_ =	shalt  }
0x56: {  	_ =	shalt  }
0x57: {  	_ =	shalt  }
0x58: {  	_ =	shalt  }
0x59: {  	_ =	shalt  }
0x5a: {  	_ =	shalt  }
0x5b: {  	_ =	shalt  }
0x5c: {  	_ =	shalt  }
0x5d: {  	_ =	shalt  }
0x5e: {  	_ =	shalt  }
0x5f: {  	_ =	shalt  }
0x60: {  	_ =	shalt  }
0x61: {  	_ =	shalt  }
0x62: {  	_ =	shalt  }
0x63: {  	_ =	shalt  }
0x64: {  	_ =	shalt  }
0x65: {  	_ =	shalt  }
0x66: {  	_ =	shalt  }
0x67: {  	_ =	shalt  }
0x68: {  	_ =	shalt  }
0x69: {  	_ =	shalt  }
0x6a: {  	_ =	shalt  }
0x6b: {  	_ =	shalt  }
0x6c: {  	_ =	shalt  }
0x6d: {  	_ =	shalt  }
0x6e: {  	_ =	shalt  }
0x6f: {  	_ =	shalt  }
0x70: {  	_ =	shalt  }
0x71: {  	_ =	shalt  }
0x72: {  	_ =	shalt  }
0x73: {  	_ =	shalt  }
0x74: {  	_ =	shalt  }
0x75: {  	_ =	shalt  }
0x76: {  	_ =	shalt  }
0x77: {  	_ =	shalt  }
0x78: {  	_ =	shalt  }
0x79: {  	_ =	shalt  }
0x7a: {  	_ =	shalt  }
0x7b: {  	_ =	shalt  }
0x7c: {  	_ =	shalt  }
0x7d: {  	_ =	shalt  }
0x7e: {  	_ =	shalt  }
0x7f: {  	_ =	shalt  }
0x80: {  	_ =	shalt  }
0x81: {  	_ =	shalt  }
0x82: {  	_ =	shalt  }
0x83: {  	_ =	shalt  }
0x84: {  	_ =	shalt  }
0x85: {  	_ =	shalt  }
0x86: {  	_ =	shalt  }
0x87: {  	_ =	shalt  }
.Lfunc_end0:
.L_simem_size_0:
called_computation_lowered:
.L_overlay_start_0:
0x88: {  	s2 =	sld [smem:$0x3FD9]  }
0x89: {  	s3 =	sld [smem:$0x3FFE];
	_ =	sdelay $0x1  }
0x8a: {  	s1 =	srdreg.scid  }
0x8b: {  	s0 =	sand.u32 $0x1, s1  }
0x8c: {  	s16 =	sshll.u32 s0, $0xA;
	s2 =	sadd.s32 s3, s2  }
0x8d: {  	s2 =	sadd.s32 s2, s16  }
0x8e: {  	[smem:$0x3FC0] =	sst s2  }
0x8f: {  	_ = 	snop  }
0x90: {  	(tm) =	ssettm $0x1  }
0x91: {  	s17 =	sld [smem:$0x3FFB];
	_ =	sdelay $0x3  }
0x92: {  	_ =	strace s17  }
0x93: {  	s2 =	sld [smem:$0x3FFC];
	_ =	sdelay $0x3  }
0x94: {  	_ =	strace s2  }
0x95: {  	s2 =	sld [smem:$0x3FFD];
	_ =	sdelay $0x3  }
0x96: {  	_ =	strace s2  }
0x97: {  	_ =	strace $0x8FFFFFFF  }
0x98: {  	s18 =	sld [smem:$0x3FDB];
	_ =	sdelay $0x1  }
0x99: {  	s19 =	simm.s32 $_scs_section_size  }
0x9a: {  	s4 =	simm.s32 $_size__tile_overlayer_lowered;
	s5 =	simm.s32 $_tile_overlayer_lowered  }
0x9b: {  	s22 =	simm.s32 $0x1BFF;
	s21 =	sshll.u32 s5, $0x1;
	s2 =	sadd.s32 s19, s18  }
0x9c: {  	s6 =	simm.s32 $0x0;
	s20 =	sshll.u32 s4, $0x1;
	s4 =	sadd.s32 s21, s2  }
0x9d: {  	[timem:s6], [sflag:s22] =	dma.local [hbm:s4], s20  }
0x9e: {  	_ =	swait.ge [sflag:s22], s20  }
0x9f: {  	s3 =	ssub.s32 $0x0, s20;
	[sflag:s22] =	ssyncset.done $0x0  }
0xa0: {  	[sflag:s22] =	ssyncadd.s32 s3;
	_ =	sdelay $0x1  }
0xa1: {  	s23 =	simm.s32 $0x1B8B  }
0xa2: {  	_ =	swait.ge [sflag:s23], $0x1  }
0xa3: {  	[sflag:s23] =	ssyncset.done $0x0  }
0xa4: {  	s25 =	simm.s32 $0x1B8E;
	s24 =	sld [smem:$0x3FFE];
	[sflag:s23] =	ssyncadd.s32 $0xFFFFFFFF  }
0xa5: {  	s26 =	simm.s32 $execute0_lowered;
	[smem:$0x3FD2] =	sst s25  }
0xa6: {  	s4 =	sshll.u32 s26, $0x1;
	_ =	strace $0x80000046;
	[dreg:$0x1] =	wrdreg $0xFFFFFFFF  }
0xa7: {  	s28 =	simm.s32 $_size_execute0_lowered;
	s2 =	sadd.s32 s2, s4;
	[dreg:$0x0] =	wrdreg $0x0  }
0xa8: {  	s4 =	sshll.u32 s28, $0x1;
	[dreg:$0x2] =	wrdreg s2  }
0xa9: {  	[dreg:$0x3] =	wrdreg s4  }
0xaa: {  	[dreg:$0x4] =	wrdreg $0xC0  }
0xab: {  	_ =	task [dreg:s6], $0x5FFFF  }
0xac: {  	[dreg:$0x1] =	wrdreg $0xFFFFFFFF  }
0xad: {  	[dreg:$0x0] =	wrdreg $0x60  }
0xae: {  	[dreg:$0x2] =	wrdreg s24  }
0xaf: {  	[dreg:$0x3] =	wrdreg $0xA3200  }
0xb0: {  	[dreg:$0x4] =	wrdreg $0x9  }
0xb1: {  	_ =	task.clear_ibuf [dreg:s6], $0x5FFFF;
	_ =	strace $0x90000046  }
0xb2: {  	s29 =	simm.s32 $0x9;
	_ =	strace $0x80000048  }
0xb3: {  	_ =	swait.ge [sflag:s29], $0x1  }
0xb4: {  	[sflag:s29] =	ssyncadd.s32 $0xFFFFFFFF  }
0xb5: {  	_ =	strace $0x90000048  }
0xb6: {  	_ =	sfence  }
0xb7: {  	s30 =	sld [smem:$0x0];
	_ =	sdelay $0x2  }
0xb8: {  	s31 =	sshll.u32 s1, $0xD;
	s1 =	sshrl.u32 s1, $0x2  }
0xb9: {  	s3 =	sand.u32 $0x4000, s31;
	s1 =	sadd.s32 s1, s30  }
0xba: {  	s0 =	sor.u32 s3, s0;
	s1 =	sshll.u32 s1, $0x11  }
0xbb: {  	s0 =	sor.u32 s1, s0  }
0xbc: {  	s0 =	sadd.s32 $0x8F2B, s0  }
0xbd: {  	[sflag:s0] =	ssyncadd.remote.s32 $0x1  }
0xbe: {  	_ =	sfence.sel $0xFFFF  }
0xbf: {  	[dreg:$0x0] =	wrdreg $0xFFFFFFFF;
	(pc) =	sbr.abs _section_cstart, $3  }
0xc0: {  	[dreg:$0x1] =	wrdreg $0xFFFFFFFF  }
0xc1: {  	_ =	task.clear_ibuf [dreg:s6], $0x2FFFF;
	_ =	strace $0x9FFFFFFF  }
0xc2: {  	(tm) =	ssettm $0x7FFFFFFF  }
0xc3: {  	_ =	shalt  }
tec
execute0_lowered:
.L_overlay_start_1:
0x0: {  	(tag) =	ssettag $0x1  }
0x1: {  	s0 =	srdreg.scid;
	s1 =	rddreg [dreg:$0x0]  }
0x2: {  	s2 =	rddreg [dreg:$0x1];
	s10 =	stileid.u32  }
0x3: {  	s3 =	simm.s32 $0x0;
	s29 =	simm.s32 $0x4E20;
	s30 =	simm.s32 $0x5  }
0x4: {  	s31 =	simm.s32 $0x78A0;
	s0 =	sand.u32 $0x1, s0;
	s7 =	smul.u32 $0x15400, s10  }
0x5: {  	[smem:$0x7FF] =	sst s3;
	s9 =	smul.u32 $0x55000, s10;
	p0 =	seq.s32 s10, $0xF  }
0x6: {  	s4 =	sshll.u32 s0, $0x4;
	s6 =	smul.u32 $0x14C080, s0;
	s0 =	ssub.s32 $0x2, s0  }
0x7: {  	_ =	strace $0x80000047;
	s4 =	sor.u32 s10, s4;
	s8 =	sshrl.u32 s0, $0x1  }
0x8: {  	s24 =	sshrl.u32 s9, $0x2;
	s10 =	simm.s32 $0x4;
	s5 =	smul.u32 $0x4E2, s4  }
0x9: {  	s4 =	sadd.s32 $0x15200, s1;
	s0 =	ssub.s32 s0, s8;
	s22 =	sadd.s32 s7, s6  }
0xa: {  	s6 =	sshrl.u32 s6, $0x3;
	s11 =	sadd.s32 s24, s2;
	s8 =	sshrl.u32 s22, $0x3  }
0xb: {  	s0 =	smax.u32 s0, $0x1;
	s25 =	sadd.s32 $0x1540, s11;
	s26 =	sadd.s32 $0x2A80, s11  }
0xc: {  	s15 =	sadd.s32 $0x7F80, s11;
	s16 =	sadd.s32 $0xAA00, s11;
	s17 =	sadd.s32 $0xBF40, s11  }
0xd: {  	s18 =	sadd.s32 $0xD480, s11;
	s19 =	sadd.s32 $0xE9C0, s11;
	s20 =	sadd.s32 $0xFF00, s11  }
0xe: {  	s22 =	sadd.s32 $0x12980, s11;
	s24 =	sadd.s32 $0x3FC0, s11;
	[dreg:$0x7] =	wrdreg s0  }
0xf: {  	s28 =	sadd.s32 $0x6A40, s11;
	s5 =	sadd.s32 s5, s1;
	[dreg:$0x8] =	wrdreg s25  }
0x10: {  	s1 =	sadd.s32 $0x3EC00, s1;
	[dreg:$0x9] =	wrdreg s26;
	s0 =	sadd.s32 $0x140140, s2  }
0x11: {  	s26 =	sadd.s32 $0x5500, s11;
	s21 =	sadd.s32 $0xB400, s5;
	s5 =	sadd.s32 $0x1600, s5  }
0x12: {  	s23 =	sadd.s32 s1, s8;
	s1 =	sadd.s32 s1, s6;
	[dreg:$0x3] =	wrdreg s21  }
0x13: {  	s6 =	sadd.s32 $0x13EC00, s2;
	s8 =	simm.s32 $0x3;
	[dreg:$0x4] =	wrdreg s5  }
0x14: {  	[dreg:$0x5] =	wrdreg s23;
	s5 =	sadd.s32 s7, s2;
	s1 =	sadd.s32 $0x27D80, s1  }
0x15: {  	s7 =	sadd.s32 $0x94C0, s11;
	s21 =	sadd.s32 $0x11440, s11;
	s23 =	sadd.s32 $0x13EC0, s11  }
0x16: {  	s14 =	smov.u32 s6;
	s15 =	smov.u32 @p0 s6;
	s6 =	simm.s32 $0x1  }
0x17: {  	[dreg:$0x6] =	wrdreg s1;
	s1 =	sadd.s32 $0x141680, s2;
	s7 =	smov.u32 @p0 s0  }
0x18: {  	s0 =	sadd.s32 $0x142BC0, s2;
	s25 =	sshrl.u32 @!p0 s5, $0x3;
	s5 =	simm.s32 $0x8DE0  }
0x19: {  	[dreg:$0xa] =	wrdreg s7;
	s16 =	smov.u32 @p0 s1;
	s1 =	sadd.s32 $0x144100, s2  }
0x1a: {  	s17 =	smov.u32 @p0 s0;
	s0 =	sadd.s32 $0x145640, s2;
	s7 =	simm.s32 $0x2  }
0x1b: {  	s18 =	smov.u32 @p0 s1;
	s1 =	sadd.s32 $0x146B80, s2;
	s19 =	smov.u32 @p0 s0  }
0x1c: {  	s0 =	sadd.s32 $0x1480C0, s2;
	s20 =	smov.u32 @p0 s1;
	s1 =	sadd.s32 $0x149600, s2  }
0x1d: {  	s21 =	smov.u32 @p0 s0;
	s0 =	sadd.s32 $0x14AB40, s2;
	s22 =	smov.u32 @p0 s1  }
0x1e: {  	v0 =	vimm.f32 $0.0e+00;
	s23 =	smov.u32 @p0 s0;
	s0 =	simm.s32 $0x28;
	s1 =	simm.s32 $0x6360  }
.LBB2_1:
0x1f: {  	s12 =	simm.s32 $0x0  }
0x20: {  	s13 =	simm.s32 $0x220;
	[tilespmem:s12+$0x4E90] =	vst v0  }
.LBB2_2:
0x21: {  	p1 =	sne.s32 s13, $0x52E0;
	[tilespmem:s12+$0x4E98] =	vst v0  }
0x22: {  	[tilespmem:s12+$0x4E20] =	vst v0  }
0x23: {  	[tilespmem:s12+$0x4E30] =	vst v0  }
0x24: {  	[tilespmem:s12+$0x4E40] =	vst v0  }
.Ltmp0:
0x25: {  	[tilespmem:s12+$0x4E50] =	vst v0;
	(pc) =	sbr.rel @p1 .LBB2_2-.Ltmp0, $4  }
0x26: {  	[tilespmem:s12+$0x4E60] =	vst v0  }
0x27: {  	[tilespmem:s12+$0x4E70] =	vst v0  }
0x28: {  	[tilespmem:s12+$0x4E80] =	vst v0;
	s12 =	sshra.s32 s13, $0x2  }
0x29: {  	s13 =	sadd.s32 $0x220, s13;
	[tilespmem:s12+$0x4E90] =	vst v0  }
0x2a: {  	[tilespmem:s12+$0x4E98] =	vst v0  }
0x2b: {  	[tilespmem:s12+$0x4E20] =	vst v0  }
0x2c: {  	[tilespmem:s12+$0x4E30] =	vst v0  }
0x2d: {  	[tilespmem:s12+$0x4E40] =	vst v0  }
0x2e: {  	[tilespmem:s12+$0x4E50] =	vst v0  }
0x2f: {  	[tilespmem:s12+$0x4E60] =	vst v0  }
0x30: {  	[tilespmem:s12+$0x4E70] =	vst v0  }
0x31: {  	[tilespmem:s12+$0x4E80] =	vst v0;
	s12 =	simm.s32 @!p0 $0x4E20;
	s13 =	simm.s32 @!p0 $0x5  }
0x32: {  	[spmem:s11] =	stream.linear.scatter @!p0 [tilespmem:s12], [sflag:$0x5], $0x1540, $0x38;
	[tilespmem:$0x1EF28] =	vst v63  }
0x33: {  	_ =	swait.ge @!p0 [sflag:s13], $0x1540  }
0x34: {  	[sflag:s13] =	ssyncset.done @!p0 $0x0  }
0x35: {  	s9 =	rddreg [dreg:$0x8];
	[sflag:s13] =	ssyncadd.s32 @!p0 $0xFFFFEAC0  }
0x36: {  	[spmem:s9] =	stream.linear.scatter @!p0 [tilespmem:s12], [sflag:$0x5], $0x1540, $0x38;
	[tilespmem:$0x1EF28] =	vst v63  }
0x37: {  	_ =	swait.ge @!p0 [sflag:s13], $0x1540  }
0x38: {  	[sflag:s13] =	ssyncset.done @!p0 $0x0  }
0x39: {  	s9 =	rddreg [dreg:$0x9];
	[sflag:s13] =	ssyncadd.s32 @!p0 $0xFFFFEAC0  }
0x3a: {  	[spmem:s9] =	stream.linear.scatter @!p0 [tilespmem:s12], [sflag:$0x5], $0x1540, $0x38;
	[tilespmem:$0x1EF28] =	vst v63  }
0x3b: {  	_ =	swait.ge @!p0 [sflag:s13], $0x1540  }
0x3c: {  	[sflag:s13] =	ssyncset.done @!p0 $0x0  }
0x3d: {  	[sflag:s13] =	ssyncadd.s32 @!p0 $0xFFFFEAC0  }
0x3e: {  	[spmem:s24] =	stream.linear.scatter @!p0 [tilespmem:s12], [sflag:$0x5], $0x1540, $0x38;
	[tilespmem:$0x1EF28] =	vst v63  }
0x3f: {  	_ =	swait.ge @!p0 [sflag:s13], $0x1540  }
0x40: {  	[sflag:s13] =	ssyncset.done @!p0 $0x0  }
0x41: {  	[sflag:s13] =	ssyncadd.s32 @!p0 $0xFFFFEAC0  }
0x42: {  	[spmem:s26] =	stream.linear.scatter @!p0 [tilespmem:s12], [sflag:$0x5], $0x1540, $0x38;
	[tilespmem:$0x1EF28] =	vst v63  }
0x43: {  	_ =	swait.ge @!p0 [sflag:s13], $0x1540  }
0x44: {  	[sflag:s13] =	ssyncset.done @!p0 $0x0  }
0x45: {  	[sflag:s13] =	ssyncadd.s32 @!p0 $0xFFFFEAC0  }
0x46: {  	[spmem:s28] =	stream.linear.scatter @!p0 [tilespmem:s12], [sflag:$0x5], $0x1540, $0x38;
	[tilespmem:$0x1EF28] =	vst v63  }
0x47: {  	_ =	swait.ge @!p0 [sflag:s13], $0x1540  }
0x48: {  	[sflag:s13] =	ssyncset.done @!p0 $0x0  }
0x49: {  	[sflag:s13] =	ssyncadd.s32 @!p0 $0xFFFFEAC0  }
0x4a: {  	[spmem:s15] =	stream.linear.scatter [tilespmem:s29], [sflag:$0x5], $0x1540, $0x38;
	[tilespmem:$0x1EF28] =	vst v63  }
0x4b: {  	_ =	swait.ge [sflag:s30], $0x1540  }
0x4c: {  	[sflag:s30] =	ssyncset.done $0x0  }
0x4d: {  	s12 =	rddreg [dreg:$0xa];
	[sflag:s30] =	ssyncadd.s32 $0xFFFFEAC0  }
0x4e: {  	[spmem:s12] =	stream.linear.scatter [tilespmem:s29], [sflag:$0x5], $0x1540, $0x38;
	[tilespmem:$0x1EF28] =	vst v63  }
0x4f: {  	_ =	swait.ge [sflag:s30], $0x1540  }
0x50: {  	[sflag:s30] =	ssyncset.done $0x0  }
0x51: {  	[sflag:s30] =	ssyncadd.s32 $0xFFFFEAC0  }
0x52: {  	[spmem:s16] =	stream.linear.scatter [tilespmem:s29], [sflag:$0x5], $0x1540, $0x38;
	[tilespmem:$0x1EF28] =	vst v63  }
0x53: {  	_ =	swait.ge [sflag:s30], $0x1540  }
0x54: {  	[sflag:s30] =	ssyncset.done $0x0  }
0x55: {  	[sflag:s30] =	ssyncadd.s32 $0xFFFFEAC0  }
0x56: {  	[spmem:s17] =	stream.linear.scatter [tilespmem:s29], [sflag:$0x5], $0x1540, $0x38;
	[tilespmem:$0x1EF28] =	vst v63  }
0x57: {  	_ =	swait.ge [sflag:s30], $0x1540  }
0x58: {  	[sflag:s30] =	ssyncset.done $0x0  }
0x59: {  	[sflag:s30] =	ssyncadd.s32 $0xFFFFEAC0  }
0x5a: {  	[spmem:s18] =	stream.linear.scatter [tilespmem:s29], [sflag:$0x5], $0x1540, $0x38;
	[tilespmem:$0x1EF28] =	vst v63  }
0x5b: {  	_ =	swait.ge [sflag:s30], $0x1540  }
0x5c: {  	[sflag:s30] =	ssyncset.done $0x0  }
0x5d: {  	[sflag:s30] =	ssyncadd.s32 $0xFFFFEAC0  }
0x5e: {  	[spmem:s19] =	stream.linear.scatter [tilespmem:s29], [sflag:$0x5], $0x1540, $0x38;
	[tilespmem:$0x1EF28] =	vst v63  }
0x5f: {  	_ =	swait.ge [sflag:s30], $0x1540  }
0x60: {  	[sflag:s30] =	ssyncset.done $0x0  }
0x61: {  	[sflag:s30] =	ssyncadd.s32 $0xFFFFEAC0  }
0x62: {  	[spmem:s20] =	stream.linear.scatter [tilespmem:s29], [sflag:$0x5], $0x1540, $0x38;
	[tilespmem:$0x1EF28] =	vst v63  }
0x63: {  	_ =	swait.ge [sflag:s30], $0x1540  }
0x64: {  	[sflag:s30] =	ssyncset.done $0x0  }
0x65: {  	[sflag:s30] =	ssyncadd.s32 $0xFFFFEAC0  }
0x66: {  	[spmem:s21] =	stream.linear.scatter [tilespmem:s29], [sflag:$0x5], $0x1540, $0x38;
	[tilespmem:$0x1EF28] =	vst v63  }
0x67: {  	_ =	swait.ge [sflag:s30], $0x1540  }
0x68: {  	[sflag:s30] =	ssyncset.done $0x0  }
0x69: {  	[sflag:s30] =	ssyncadd.s32 $0xFFFFEAC0  }
0x6a: {  	[spmem:s22] =	stream.linear.scatter [tilespmem:s29], [sflag:$0x5], $0x1540, $0x38;
	[tilespmem:$0x1EF28] =	vst v63  }
0x6b: {  	_ =	swait.ge [sflag:s30], $0x1540  }
0x6c: {  	[sflag:s30] =	ssyncset.done $0x0  }
0x6d: {  	[sflag:s30] =	ssyncadd.s32 $0xFFFFEAC0  }
0x6e: {  	[spmem:s23] =	stream.linear.scatter [tilespmem:s29], [sflag:$0x5], $0x1540, $0x38;
	[tilespmem:$0x1EF28] =	vst v63  }
0x6f: {  	_ =	swait.ge [sflag:s30], $0x1540  }
0x70: {  	[sflag:s30] =	ssyncset.done $0x0  }
0x71: {  	s12 =	simm.s32 $0x0;
	s13 =	rddreg [dreg:$0x3];
	[sflag:s30] =	ssyncadd.s32 $0xFFFFEAC0  }
0x72: {  	[tilespmem:s12], [sflag:$0x5] =	stream.linear.gather [hbm4b:s13+s12], $0x2710, $0x38;
	[tilespmem:$0x1EF28] =	vst v63  }
0x73: {  	_ =	swait.ge [sflag:s30], $0x2710  }
0x74: {  	[sflag:s30] =	ssyncset.done $0x0  }
0x75: {  	s13 =	simm.s32 $0x2710;
	s9 =	rddreg [dreg:$0x4];
	[sflag:s30] =	ssyncadd.s32 $0xFFFFD8F0  }
0x76: {  	[tilespmem:s13], [sflag:$0x5] =	stream.linear.gather [hbm4b:s9+s12], $0x2710, $0x38;
	[tilespmem:$0x1EF28] =	vst v63  }
0x77: {  	_ =	swait.ge [sflag:s30], $0x2710  }
0x78: {  	[sflag:s30] =	ssyncset.done $0x0  }
0x79: {  	[sflag:s30] =	ssyncadd.s32 $0xFFFFD8F0  }
0x7a: {  	[bflag:$0x0] =	sbarrier.arrive $0xFFFF  }
0x7b: {  	[tilespmem:s29], [sflag:$0x1] =	stream.indirect.gather [hbm4b:s4+s0], $0x88, s12, s0, $0xb8;
	[tilespmem:$0x1EF28] =	vst v63  }
0x7c: {  	_ = 	snop  }
0x7d: {  	[tilespmem:s1], [sflag:$0x2] =	stream.indirect.gather [hbm4b:s4+s0], $0x88, s0, s0, $0xb8;
	[tilespmem:$0x1EF28] =	vst v63  }
0x7e: {  	s13 =	simm.s32 $0x50  }
0x7f: {  	[tilespmem:s31], [sflag:$0x3] =	stream.indirect.gather [hbm4b:s4+s0], $0x88, s13, s0, $0xb8;
	[tilespmem:$0x1EF28] =	vst v63  }
0x80: {  	s12 =	simm.s32 $0x78  }
0x81: {  	[tilespmem:s5], [sflag:$0x4] =	stream.indirect.gather [hbm4b:s4+s0], $0x88, s12, s0, $0xb8;
	[tilespmem:$0x1EF28] =	vst v63  }
0x82: {  	_ =	swait.ge [sflag:s6], $0x1540  }
0x83: {  	[sflag:s6] =	ssyncset.done $0x0  }
0x84: {  	s13 =	simm.s32 $0x2710;
	[sflag:s6] =	ssyncadd.s32 $0xFFFFEAC0  }
0x85: {  	[spmem:s2] =	stream.indirect.scatter.add.f32 [tilespmem:s29], [sflag:$0x5], $0x88, s13, s0, $0xb8;
	[tilespmem:$0x1EF28] =	vst v63  }
0x86: {  	_ =	swait.ge [sflag:s30], $0x1540  }
0x87: {  	[sflag:s30] =	ssyncset.done $0x0  }
0x88: {  	s9 =	simm.s32 $0xA0;
	[sflag:s30] =	ssyncadd.s32 $0xFFFFEAC0  }
0x89: {  	[tilespmem:s29], [sflag:$0x1] =	stream.indirect.gather [hbm4b:s4+s0], $0x88, s9, s0, $0xb8;
	[tilespmem:$0x1EF28] =	vst v63  }
0x8a: {  	_ =	swait.ge [sflag:s7], $0x1540  }
0x8b: {  	[sflag:s7] =	ssyncset.done $0x0  }
0x8c: {  	s13 =	simm.s32 $0x2738;
	[sflag:s7] =	ssyncadd.s32 $0xFFFFEAC0  }
0x8d: {  	[spmem:s2] =	stream.indirect.scatter.add.f32 [tilespmem:s1], [sflag:$0x5], $0x88, s13, s0, $0xb8;
	[tilespmem:$0x1EF28] =	vst v63  }
0x8e: {  	_ =	swait.ge [sflag:s30], $0x1540  }
0x8f: {  	[sflag:s30] =	ssyncset.done $0x0  }
0x90: {  	s9 =	simm.s32 $0xC8;
	[sflag:s30] =	ssyncadd.s32 $0xFFFFEAC0  }
0x91: {  	[tilespmem:s1], [sflag:$0x2] =	stream.indirect.gather [hbm4b:s4+s0], $0x88, s9, s0, $0xb8;
	[tilespmem:$0x1EF28] =	vst v63  }
0x92: {  	_ =	swait.ge [sflag:s8], $0x1540  }
0x93: {  	[sflag:s8] =	ssyncset.done $0x0  }
0x94: {  	s13 =	simm.s32 $0x2760;
	[sflag:s8] =	ssyncadd.s32 $0xFFFFEAC0  }
0x95: {  	[spmem:s2] =	stream.indirect.scatter.add.f32 [tilespmem:s31], [sflag:$0x5], $0x88, s13, s0, $0xb8;
	[tilespmem:$0x1EF28] =	vst v63  }
0x96: {  	_ =	swait.ge [sflag:s30], $0x1540  }
0x97: {  	[sflag:s30] =	ssyncset.done $0x0  }
0x98: {  	s9 =	simm.s32 $0xF0;
	[sflag:s30] =	ssyncadd.s32 $0xFFFFEAC0  }
0x99: {  	[tilespmem:s31], [sflag:$0x3] =	stream.indirect.gather [hbm4b:s4+s0], $0x88, s9, s0, $0xb8;
	[tilespmem:$0x1EF28] =	vst v63  }
0x9a: {  	_ =	swait.ge [sflag:s10], $0x1540  }
0x9b: {  	[sflag:s10] =	ssyncset.done $0x0  }
0x9c: {  	s13 =	simm.s32 $0x2788;
	[sflag:s10] =	ssyncadd.s32 $0xFFFFEAC0  }
0x9d: {  	[spmem:s2] =	stream.indirect.scatter.add.f32 [tilespmem:s5], [sflag:$0x5], $0x88, s13, s0, $0xb8;
	[tilespmem:$0x1EF28] =	vst v63  }
0x9e: {  	_ =	swait.ge [sflag:s30], $0x1540  }
0x9f: {  	[sflag:s30] =	ssyncset.done $0x0  }
0xa0: {  	s12 =	simm.s32 $0x280;
	s13 =	simm.s32 $0x118;
	[sflag:s30] =	ssyncadd.s32 $0xFFFFEAC0  }
.LBB2_4:
0xa1: {  	[tilespmem:s5], [sflag:$0x4] =	stream.indirect.gather [hbm4b:s4+s0], $0x88, s13, s0, $0xb8;
	[tilespmem:$0x1EF28] =	vst v63  }
0xa2: {  	s13 =	smov.u32 s12  }
0xa3: {  	p1 =	sne.s32 s12, $0x9600;
	s12 =	sadd.s32 $0x280, s12;
	_ =	swait.ge [sflag:s6], $0x1540  }
0xa4: {  	s13 =	sshra.s32 s13, $0x2;
	[sflag:s6] =	ssyncset.done $0x0  }
0xa5: {  	s9 =	sadd.s32 $0x2710, s13;
	[sflag:s6] =	ssyncadd.s32 $0xFFFFEAC0  }
0xa6: {  	[spmem:s2] =	stream.indirect.scatter.add.f32 [tilespmem:s29], [sflag:$0x5], $0x88, s9, s0, $0xb8;
	[tilespmem:$0x1EF28] =	vst v63  }
0xa7: {  	_ =	swait.ge [sflag:s30], $0x1540  }
0xa8: {  	[sflag:s30] =	ssyncset.done $0x0  }
0xa9: {  	s9 =	sadd.s32 $0xA0, s13;
	[sflag:s30] =	ssyncadd.s32 $0xFFFFEAC0  }
0xaa: {  	[tilespmem:s29], [sflag:$0x1] =	stream.indirect.gather [hbm4b:s4+s0], $0x88, s9, s0, $0xb8;
	[tilespmem:$0x1EF28] =	vst v63  }
0xab: {  	_ =	swait.ge [sflag:s7], $0x1540  }
0xac: {  	[sflag:s7] =	ssyncset.done $0x0  }
0xad: {  	s9 =	sadd.s32 $0x2738, s13;
	[sflag:s7] =	ssyncadd.s32 $0xFFFFEAC0  }
0xae: {  	[spmem:s2] =	stream.indirect.scatter.add.f32 [tilespmem:s1], [sflag:$0x5], $0x88, s9, s0, $0xb8;
	[tilespmem:$0x1EF28] =	vst v63  }
0xaf: {  	_ =	swait.ge [sflag:s30], $0x1540  }
0xb0: {  	[sflag:s30] =	ssyncset.done $0x0  }
0xb1: {  	s9 =	sadd.s32 $0xC8, s13;
	[sflag:s30] =	ssyncadd.s32 $0xFFFFEAC0  }
0xb2: {  	[tilespmem:s1], [sflag:$0x2] =	stream.indirect.gather [hbm4b:s4+s0], $0x88, s9, s0, $0xb8;
	[tilespmem:$0x1EF28] =	vst v63  }
0xb3: {  	_ =	swait.ge [sflag:s8], $0x1540  }
0xb4: {  	[sflag:s8] =	ssyncset.done $0x0  }
0xb5: {  	s9 =	sadd.s32 $0x2760, s13;
	[sflag:s8] =	ssyncadd.s32 $0xFFFFEAC0  }
0xb6: {  	[spmem:s2] =	stream.indirect.scatter.add.f32 [tilespmem:s31], [sflag:$0x5], $0x88, s9, s0, $0xb8;
	[tilespmem:$0x1EF28] =	vst v63  }
0xb7: {  	_ =	swait.ge [sflag:s30], $0x1540  }
0xb8: {  	[sflag:s30] =	ssyncset.done $0x0  }
0xb9: {  	s9 =	sadd.s32 $0xF0, s13;
	[sflag:s30] =	ssyncadd.s32 $0xFFFFEAC0  }
0xba: {  	[tilespmem:s31], [sflag:$0x3] =	stream.indirect.gather [hbm4b:s4+s0], $0x88, s9, s0, $0xb8;
	[tilespmem:$0x1EF28] =	vst v63  }
0xbb: {  	_ =	swait.ge [sflag:s10], $0x1540  }
0xbc: {  	[sflag:s10] =	ssyncset.done $0x0  }
.Ltmp1:
0xbd: {  	s9 =	sadd.s32 $0x2788, s13;
	[sflag:s10] =	ssyncadd.s32 $0xFFFFEAC0;
	(pc) =	sbr.rel @p1 .LBB2_4-.Ltmp1, $4  }
0xbe: {  	[spmem:s2] =	stream.indirect.scatter.add.f32 [tilespmem:s5], [sflag:$0x5], $0x88, s9, s0, $0xb8;
	[tilespmem:$0x1EF28] =	vst v63  }
0xbf: {  	_ =	swait.ge [sflag:s30], $0x1540  }
0xc0: {  	[sflag:s30] =	ssyncset.done $0x0  }
0xc1: {  	s13 =	sadd.s32 $0x118, s13;
	[sflag:s30] =	ssyncadd.s32 $0xFFFFEAC0  }
0xc2: {  	[tilespmem:s5], [sflag:$0x4] =	stream.indirect.gather [hbm4b:s4+s0], $0x88, s13, s0, $0xb8;
	[tilespmem:$0x1EF28] =	vst v63  }
0xc3: {  	_ =	swait.ge [sflag:s6], $0x1540  }
0xc4: {  	[sflag:s6] =	ssyncset.done $0x0  }
0xc5: {  	s9 =	simm.s32 $0x4D30;
	[sflag:s6] =	ssyncadd.s32 $0xFFFFEAC0  }
0xc6: {  	[spmem:s2] =	stream.indirect.scatter.add.f32 [tilespmem:s29], [sflag:$0x5], $0x88, s9, s0, $0xb8;
	[tilespmem:$0x1EF28] =	vst v63  }
0xc7: {  	_ =	swait.ge [sflag:s30], $0x1540  }
0xc8: {  	[sflag:s30] =	ssyncset.done $0x0  }
0xc9: {  	s12 =	simm.s32 $0x26C0;
	[sflag:s30] =	ssyncadd.s32 $0xFFFFEAC0  }
0xca: {  	[tilespmem:s29], [sflag:$0x1] =	stream.indirect.gather [hbm4b:s4+s0], $0x88, s12, s0, $0xb8;
	[tilespmem:$0x1EF28] =	vst v63  }
0xcb: {  	_ =	swait.ge [sflag:s7], $0x1540  }
0xcc: {  	[sflag:s7] =	ssyncset.done $0x0  }
0xcd: {  	s13 =	simm.s32 $0x4D58;
	[sflag:s7] =	ssyncadd.s32 $0xFFFFEAC0  }
0xce: {  	[spmem:s2] =	stream.indirect.scatter.add.f32 [tilespmem:s1], [sflag:$0x5], $0x88, s13, s0, $0xb8;
	[tilespmem:$0x1EF28] =	vst v63  }
0xcf: {  	_ =	swait.ge [sflag:s30], $0x1540  }
0xd0: {  	[sflag:s30] =	ssyncset.done $0x0  }
0xd1: {  	s12 =	simm.s32 $0x26E8;
	[sflag:s30] =	ssyncadd.s32 $0xFFFFEAC0  }
0xd2: {  	[tilespmem:s1], [sflag:$0x2] =	stream.indirect.gather [hbm4b:s4+s0], $0x88, s12, s0, $0xb8;
	[tilespmem:$0x1EF28] =	vst v63  }
0xd3: {  	_ =	swait.ge [sflag:s8], $0x1540  }
0xd4: {  	[sflag:s8] =	ssyncset.done $0x0  }
0xd5: {  	s13 =	simm.s32 $0x4D80;
	[sflag:s8] =	ssyncadd.s32 $0xFFFFEAC0  }
0xd6: {  	[spmem:s2] =	stream.indirect.scatter.add.f32 [tilespmem:s31], [sflag:$0x5], $0x88, s13, s0, $0xb8;
	[tilespmem:$0x1EF28] =	vst v63  }
0xd7: {  	_ =	swait.ge [sflag:s30], $0x1540  }
0xd8: {  	[sflag:s30] =	ssyncset.done $0x0  }
0xd9: {  	[sflag:s30] =	ssyncadd.s32 $0xFFFFEAC0  }
0xda: {  	_ =	swait.ge [sflag:s10], $0x1540  }
0xdb: {  	[sflag:s10] =	ssyncset.done $0x0  }
0xdc: {  	s12 =	simm.s32 $0x4DA8;
	[sflag:s10] =	ssyncadd.s32 $0xFFFFEAC0  }
0xdd: {  	[spmem:s2] =	stream.indirect.scatter.add.f32 [tilespmem:s5], [sflag:$0x5], $0x88, s12, s0, $0xb8;
	[tilespmem:$0x1EF28] =	vst v63  }
0xde: {  	_ =	swait.ge [sflag:s30], $0x1540  }
0xdf: {  	[sflag:s30] =	ssyncset.done $0x0  }
0xe0: {  	[sflag:s30] =	ssyncadd.s32 $0xFFFFEAC0  }
0xe1: {  	_ =	swait.ge [sflag:s6], $0x1540  }
0xe2: {  	[sflag:s6] =	ssyncset.done $0x0  }
0xe3: {  	s13 =	simm.s32 $0x4DD0;
	[sflag:s6] =	ssyncadd.s32 $0xFFFFEAC0  }
0xe4: {  	[spmem:s2] =	stream.indirect.scatter.add.f32 [tilespmem:s29], [sflag:$0x5], $0x88, s13, s0, $0xb8;
	[tilespmem:$0x1EF28] =	vst v63  }
0xe5: {  	_ =	swait.ge [sflag:s30], $0x1540  }
0xe6: {  	[sflag:s30] =	ssyncset.done $0x0  }
0xe7: {  	[sflag:s30] =	ssyncadd.s32 $0xFFFFEAC0  }
0xe8: {  	_ =	swait.ge [sflag:s7], $0x1540  }
0xe9: {  	[sflag:s7] =	ssyncset.done $0x0  }
0xea: {  	s12 =	simm.s32 $0x4DF8;
	[sflag:s7] =	ssyncadd.s32 $0xFFFFEAC0  }
0xeb: {  	[spmem:s2] =	stream.indirect.scatter.add.f32 [tilespmem:s1], [sflag:$0x5], $0x88, s12, s0, $0xb8;
	[tilespmem:$0x1EF28] =	vst v63  }
0xec: {  	_ =	swait.ge [sflag:s30], $0x1540  }
0xed: {  	[sflag:s30] =	ssyncset.done $0x0  }
0xee: {  	[sflag:s30] =	ssyncadd.s32 $0xFFFFEAC0  }
0xef: {  	[bflag:$0x0] =	sbarrier.arrive $0xFFFF  }
0xf0: {  	s9 =	sshrl.u32 @p0 s14, $0x3;
	s12 =	simm.s32 @p0 $0x1FC5;
	s13 =	rddreg [dreg:$0x6]  }
0xf1: {  	[hbm:s13], [sflag:s12] =	dma.local @p0 [spmem:s9], $0x1A90  }
0xf2: {  	s9 =	simm.s32 @p0 $0x5  }
0xf3: {  	s12 =	stileid.u32;
	_ =	swait.ge @p0 [sflag:s9], $0x1A90  }
0xf4: {  	s12 =	sshll.u32 @!p0 s12, $0x6;
	[sflag:s9] =	ssyncset.done @p0 $0x0  }
0xf5: {  	[sflag:s9] =	ssyncadd.s32 @p0 $0xFFFFE570;
	s9 =	sor.u32 @!p0 $0x1C05, s12;
	s12 =	rddreg [dreg:$0x5]  }
0xf6: {  	[hbm:s12], [sflag:s9] =	dma.local @!p0 [spmem:s25], $0x2A80  }
0xf7: {  	s9 =	simm.s32 @!p0 $0x5  }
0xf8: {  	_ =	swait.ge @!p0 [sflag:s9], $0x2A80  }
0xf9: {  	s3 =	sadd.s32 $0x1, s3;
	s13 =	rddreg [dreg:$0x7]  }
0xfa: {  	p1 =	sne.s32 s3, s13  }
.Ltmp2:
0xfb: {  	_ = 	snop;
	(pc) =	sbr.rel @p1 .LBB2_1-.Ltmp2, $3  }
0xfc: {  	_ =	sdelay $0x1  }
0xfd: {  	[sflag:s9] =	ssyncset.done @!p0 $0x0  }
0xfe: {  	[sflag:s9] =	ssyncadd.s32 @!p0 $0xFFFFD580  }
0xff: {  	_ =	sfence.sel $0x180000  }
0x100: {  	[bflag:$0x0] =	sbarrier.arrive $0xFFFF  }
0x101: {  	_ =	strace $0x90000047  }
0x102: {  	s0 =	stileid.u32;
	[bflag:$0x2] =	sbarrier.arrive $0xFFFF  }
0x103: {  	p0 =	sne.s32 s0, $0x0;
	s0 =	rddreg [dreg:$0x2]  }
0x104: {  	s0 =	sadd.s32 @!p0 $0x100000, s0  }
0x105: {  	[sflag:s0] =	ssyncadd.tile.s32 @!p0 $0x1;
	_ =	shalt  }
.Lfunc_end2:
_tile_overlayer_lowered:
.L_overlay_start_2:
0x106: {  	(tag) =	ssettag $0x2  }
0x107: {  	s0 =	rddreg [dreg:$0x0];
	s2 =	stileid.u32  }
0x108: {  	s1 =	rddreg [dreg:$0x1];
	p0 =	sne.s32 s2, $0x0  }
0x109: {  	s3 =	rddreg [dreg:$0x2];
	[bflag:$0x3] =	sbarrier.arrive $0xFFFF;
	s2 =	simm.s32 @!p0 $0x1C05  }
0x10a: {  	[timem:s3], [sflag:s2] =	dma.local @!p0 [hbm:s0], s1  }
0x10b: {  	s0 =	simm.s32 @!p0 $0x5  }
0x10c: {  	_ =	swait.ge @!p0 [sflag:s0], s1  }
0x10d: {  	s1 =	ssub.s32 @!p0 $0x0, s1;
	[sflag:s0] =	ssyncset.done @!p0 $0x0  }
0x10e: {  	[sflag:s0] =	ssyncadd.s32 @!p0 s1  }
0x10f: {  	[bflag:$0x3] =	sbarrier.arrive $0xFFFF  }
0x110: {  	_ =	shalt  }

</sc_bundles>
